<compile_context>
chip_gen: v7x
topology: tpu7x:2x2x1
jax: 0.10.2.dev20260603
libtpu: 0.0.44.dev20260713+nightly
codegen_flags: <defaults>
</compile_context>

<pallas_src>
import functools

import jax
import jax.numpy as jnp
from jax import lax
from jax.experimental import pallas as pl
from jax.experimental.pallas import tpu as pltpu
from jax.experimental.pallas import tpu_sc as plsc

NC = 2
NS = 16
NW = NC * NS

LANE = 128
RING = 96
UNROLL = 8


def _rowsum_tc(table):
    v, d = table.shape
    t_t = jnp.swapaxes(table, 0, 1)
    cblk = 65536
    grid = (v + cblk - 1) // cblk

    def body(t_ref, o_ref):
        o_ref[...] = jnp.sum(t_ref[...], axis=0)

    return pl.pallas_call(
        body,
        grid=(grid,),
        in_specs=[pl.BlockSpec((d, cblk), lambda i: (0, i))],
        out_specs=pl.BlockSpec((cblk,), lambda i: (i,)),
        out_shape=jax.ShapeDtypeStruct((v,), jnp.float32),
    )(t_t)


def _split_tc(indices, s_a, s_b):
    b, s = indices.shape
    rblk = 512
    assert b % rblk == 0

    def body(i_ref, a_ref, b_ref):
        x = i_ref[...]
        a_ref[...] = x[:, :s_a]
        b_ref[...] = jnp.concatenate(
            [x[:, s_a:s], jnp.zeros((rblk, LANE - s_b), jnp.int32)], axis=1)

    return pl.pallas_call(
        body,
        grid=(b // rblk,),
        in_specs=[pl.BlockSpec((rblk, s), lambda i: (i, 0))],
        out_specs=[pl.BlockSpec((rblk, LANE), lambda i: (i, 0)),
                   pl.BlockSpec((rblk, LANE), lambda i: (i, 0))],
        out_shape=[jax.ShapeDtypeStruct((b, LANE), jnp.int32),
                   jax.ShapeDtypeStruct((b, LANE), jnp.int32)],
    )(indices)


def _gather_sc(idx_a, idx_b, rsflat, s_b):
    n_rows = idx_a.shape[0]
    assert n_rows % NW == 0
    n_ch = n_rows // NW

    mesh = plsc.VectorSubcoreMesh(core_axis_name="c", subcore_axis_name="s")

    @functools.partial(
        pl.kernel,
        mesh=mesh,
        out_type=[jax.ShapeDtypeStruct((n_rows, LANE), jnp.float32),
                  jax.ShapeDtypeStruct((n_rows, LANE), jnp.float32)],
        scratch_types=[
            pltpu.VMEM((n_ch, LANE), jnp.int32),
            pltpu.VMEM((n_ch, LANE), jnp.int32),
            pltpu.VMEM((n_ch, LANE), jnp.float32),
            pltpu.VMEM((n_ch, LANE), jnp.float32),
            pltpu.SemaphoreType.DMA,
        ],
    )
    def k(ia_hbm, ib_hbm, rs_hbm, oa_hbm, ob_hbm, ia_v, ib_v, va_v, vb_v, sem):
        wid = lax.axis_index("s") * NC + lax.axis_index("c")
        row0 = wid * n_ch
        pltpu.sync_copy(ia_hbm.at[pl.ds(row0, n_ch)], ia_v)
        pltpu.sync_copy(ib_hbm.at[pl.ds(row0, n_ch)], ib_v)

        def start_a(c):
            pltpu.make_async_copy(
                rs_hbm.at[ia_v.at[c]], va_v.at[c], sem).start()

        def wait_a(c):
            pltpu.make_async_copy(
                rs_hbm.at[ia_v.at[c]], va_v.at[c], sem).wait()

        def start_b(c):
            pltpu.make_async_copy(
                rs_hbm.at[ib_v.at[c, pl.ds(0, s_b)]],
                vb_v.at[c, pl.ds(0, s_b)], sem).start()

        def wait_b(c):
            pltpu.make_async_copy(
                rs_hbm.at[ib_v.at[c, pl.ds(0, s_b)]],
                vb_v.at[c, pl.ds(0, s_b)], sem).wait()

        def ring(start, wait):
            assert (n_ch - RING) % UNROLL == 0

            def prime(c, carry):
                start(c)
                return carry
            lax.fori_loop(0, RING, prime, 0)

            def step(i, carry):
                c = i * UNROLL
                for u in range(UNROLL):
                    start(c + u + RING)
                    wait(c + u)
                return carry
            lax.fori_loop(0, (n_ch - RING) // UNROLL, step, 0)

            def drain(c, carry):
                wait(c)
                return carry
            lax.fori_loop(n_ch - RING, n_ch, drain, 0)

        ring(start_a, wait_a)
        ring(start_b, wait_b)

        pltpu.sync_copy(va_v, oa_hbm.at[pl.ds(row0, n_ch)])
        pltpu.sync_copy(vb_v, ob_hbm.at[pl.ds(row0, n_ch)])

    return k(idx_a, idx_b, rsflat)


def _stitch_mul_tc(g_a, g_b, weights, s_a, s_b):
    b, s = weights.shape
    rblk = 512

    def body(a_ref, b_ref, w_ref, o_ref):
        g = jnp.concatenate([a_ref[...], b_ref[:, :s_b]], axis=1)
        o_ref[...] = g * w_ref[...]

    return pl.pallas_call(
        body,
        grid=(b // rblk,),
        in_specs=[
            pl.BlockSpec((rblk, LANE), lambda i: (i, 0)),
            pl.BlockSpec((rblk, LANE), lambda i: (i, 0)),
            pl.BlockSpec((rblk, s), lambda i: (i, 0)),
        ],
        out_specs=pl.BlockSpec((rblk, s), lambda i: (i, 0)),
        out_shape=jax.ShapeDtypeStruct((b, s), jnp.float32),
    )(g_a, g_b, weights)


def kernel(indices, weights, table):
    b, s, n = indices.shape
    assert n == 1 and b % NW == 0
    s_a = LANE
    s_b = s - s_a
    rsflat = _rowsum_tc(table)
    idx_a, idx_b = _split_tc(indices.reshape(b, s).astype(jnp.int32), s_a, s_b)
    g_a, g_b = _gather_sc(idx_a, idx_b, rsflat, s_b)
    return _stitch_mul_tc(g_a, g_b, weights.reshape(b, s), s_a, s_b)

# --- scband reference (transcript-rebuilt; emitter-appended) ---
"""Pipeline reference for scband-weighted-bag-embedding-sequence-58626303591143 (READ-ONLY COPY).

The authoritative reference and input builder live on the scoring server;
editing this copy changes nothing except your own understanding.
"""

import jax, jax.numpy as jnp
import numpy as np

VOCAB = 1000000
EMBED_DIM = 32
B = 4096
S = 200
N = 1


def setup_inputs(seed: int = 0) -> dict:
    key = jax.random.key(seed)
    k1, k2, k3 = jax.random.split(key, 3)
    indices = jax.random.randint(k1, (B, S, N), 0, VOCAB, dtype=jnp.int64)
    weights = jax.random.uniform(k2, (B, S, N), dtype=jnp.float32)
    table = jax.random.normal(k3, (VOCAB, EMBED_DIM), dtype=jnp.float32) * 0.02
    return {"indices": indices, "weights": weights, "table": table}


def reference(indices, weights, table):
    shape = indices.shape
    indices_reshaped = indices.reshape((shape[0], -1))
    embeddings = jnp.take(table, indices_reshaped, axis=0)
    embeddings = embeddings.reshape((shape[0], shape[1], table.shape[1]))
    weighted_embedding = jnp.sum(embeddings * weights, axis=-1)
    return weighted_embedding

if __name__ == "__main__":
    import jax
    _d = setup_inputs()
    print(jax.jit(kernel)(*tuple(_d.values())))

</pallas_src>

<mosaic_0001>
#map = affine_map<(d0, d1) -> (0, 0)>
#map1 = affine_map<(d0, d1) -> (0)>
module attributes {stable_mosaic.version = 14 : i64} {
  func.func @k(%arg0: i32, %arg1: i32, %arg2: memref<4096x128xi32, #tpu.memory_space<hbm>>, %arg3: memref<4096x128xi32, #tpu.memory_space<hbm>>, %arg4: memref<1000000xf32, #tpu.memory_space<hbm>>, %arg5: memref<4096x128xf32, #tpu.memory_space<hbm>>, %arg6: memref<4096x128xf32, #tpu.memory_space<hbm>>, %arg7: memref<128x128xi32, #tpu.memory_space<vmem>>, %arg8: memref<128x128xi32, #tpu.memory_space<vmem>>, %arg9: memref<128x128xf32, #tpu.memory_space<vmem>>, %arg10: memref<128x128xf32, #tpu.memory_space<vmem>>, %arg11: memref<!tpu.dma_semaphore, #tpu.memory_space<semaphore_mem>>) attributes {dimension_semantics = [#tpu.dimension_semantics<core_parallel>, #tpu.dimension_semantics<subcore_parallel>], iteration_bounds = array<i64: 2, 16>, scalar_prefetch = 0 : i64, scratch_operands = 5 : i64, tpu.core_type = #tpu.core_type<sc_vector_subcore>, window_params = [{transform_indices = #map}, {transform_indices = #map}, {transform_indices = #map1}, {transform_indices = #map}, {transform_indices = #map}]} {
    %mul3A = arith.constant 2 : i32
    %mul3A_0 = arith.muli %arg1, %mul3A : i32
    %add3A = arith.addi %mul3A_0, %arg0 : i32
    %mul3A_1 = arith.constant 128 : i32
    %mul3A_2 = arith.muli %add3A, %mul3A_1 : i32
    "tpu.region"() ({
      %run_scoped3A = tpu.sem_alloc : memref<!tpu.dma_semaphore, #tpu.memory_space<semaphore_mem>>
      %dma_start3A = arith.constant 0 : i32
      %dma_start3A_38 = tpu.memref_slice %arg2[%mul3A_2, %dma_start3A] : memref<4096x128xi32, #tpu.memory_space<hbm>> -> memref<128x128xi32, #tpu.memory_space<hbm>>
      %dma_start3A_39 = arith.constant 0 : i32
      %dma_start3A_40 = tpu.memref_slice %arg2[%mul3A_2, %dma_start3A_39] : memref<4096x128xi32, #tpu.memory_space<hbm>> -> memref<128x128xi32, #tpu.memory_space<hbm>>
      tpu.enqueue_dma source(%dma_start3A_40 : memref<128x128xi32, #tpu.memory_space<hbm>>) target(%arg7 : memref<128x128xi32, #tpu.memory_space<vmem>>) target_semaphore(%run_scoped3A : memref<!tpu.dma_semaphore, #tpu.memory_space<semaphore_mem>>)
      %dma_wait3A = arith.constant 0 : i32
      %dma_wait3A_41 = tpu.memref_slice %arg2[%mul3A_2, %dma_wait3A] : memref<4096x128xi32, #tpu.memory_space<hbm>> -> memref<128x128xi32, #tpu.memory_space<hbm>>
      %dma_wait3A_42 = arith.constant 0 : i32
      %dma_wait3A_43 = tpu.memref_slice %arg2[%mul3A_2, %dma_wait3A_42] : memref<4096x128xi32, #tpu.memory_space<hbm>> -> memref<128x128xi32, #tpu.memory_space<hbm>>
      tpu.wait_dma2 semaphore(%run_scoped3A : memref<!tpu.dma_semaphore, #tpu.memory_space<semaphore_mem>>) src(%dma_wait3A_43 : memref<128x128xi32, #tpu.memory_space<hbm>>) dst(%arg7 : memref<128x128xi32, #tpu.memory_space<vmem>>)
      tpu.yield
    }) : () -> ()
    "tpu.region"() ({
      %run_scoped3A = tpu.sem_alloc : memref<!tpu.dma_semaphore, #tpu.memory_space<semaphore_mem>>
      %dma_start3A = arith.constant 0 : i32
      %dma_start3A_38 = tpu.memref_slice %arg3[%mul3A_2, %dma_start3A] : memref<4096x128xi32, #tpu.memory_space<hbm>> -> memref<128x128xi32, #tpu.memory_space<hbm>>
      %dma_start3A_39 = arith.constant 0 : i32
      %dma_start3A_40 = tpu.memref_slice %arg3[%mul3A_2, %dma_start3A_39] : memref<4096x128xi32, #tpu.memory_space<hbm>> -> memref<128x128xi32, #tpu.memory_space<hbm>>
      tpu.enqueue_dma source(%dma_start3A_40 : memref<128x128xi32, #tpu.memory_space<hbm>>) target(%arg8 : memref<128x128xi32, #tpu.memory_space<vmem>>) target_semaphore(%run_scoped3A : memref<!tpu.dma_semaphore, #tpu.memory_space<semaphore_mem>>)
      %dma_wait3A = arith.constant 0 : i32
      %dma_wait3A_41 = tpu.memref_slice %arg3[%mul3A_2, %dma_wait3A] : memref<4096x128xi32, #tpu.memory_space<hbm>> -> memref<128x128xi32, #tpu.memory_space<hbm>>
      %dma_wait3A_42 = arith.constant 0 : i32
      %dma_wait3A_43 = tpu.memref_slice %arg3[%mul3A_2, %dma_wait3A_42] : memref<4096x128xi32, #tpu.memory_space<hbm>> -> memref<128x128xi32, #tpu.memory_space<hbm>>
      tpu.wait_dma2 semaphore(%run_scoped3A : memref<!tpu.dma_semaphore, #tpu.memory_space<semaphore_mem>>) src(%dma_wait3A_43 : memref<128x128xi32, #tpu.memory_space<hbm>>) dst(%arg8 : memref<128x128xi32, #tpu.memory_space<vmem>>)
      tpu.yield
    }) : () -> ()
    %scan3A = arith.constant 0 : i32
    %scan3A_3 = arith.constant 0 : i32
    %scan3A_4 = arith.constant 96 : i32
    %scan3A_5 = arith.addi %scan3A_3, %scan3A_4 : i32
    %scan3A_6 = arith.constant 1 : i32
    scf.for %scan3A_38 = %scan3A_3 to %scan3A_5 step %scan3A_6  : i32 {
      %dma_start3A = arith.constant 0 : i32
      %dma_start3A_39 = tpu.memref_slice %arg9[%scan3A_38, %dma_start3A] : memref<128x128xf32, #tpu.memory_space<vmem>> -> memref<1x128xf32, #tpu.memory_space<vmem>>
      %dma_start3A_40 = tpu.memref_squeeze %dma_start3A_39 : memref<1x128xf32, #tpu.memory_space<vmem>> -> memref<128xf32, #tpu.memory_space<vmem>>
      %dma_start3A_41 = arith.constant 0 : i32
      %dma_start3A_42 = tpu.memref_slice %arg7[%scan3A_38, %dma_start3A_41] : memref<128x128xi32, #tpu.memory_space<vmem>> -> memref<1x128xi32, #tpu.memory_space<vmem>>
      %dma_start3A_43 = tpu.memref_squeeze %dma_start3A_42 : memref<1x128xi32, #tpu.memory_space<vmem>> -> memref<128xi32, #tpu.memory_space<vmem>>
      %dma_start3A_44 = arith.constant 0 : i32
      %dma_start3A_45 = tpu.memref_slice %arg4[%dma_start3A_44] : memref<1000000xf32, #tpu.memory_space<hbm>> -> memref<1000000xf32, #tpu.memory_space<hbm>>
      tpu.enqueue_indirect_dma source(%dma_start3A_45 : memref<1000000xf32, #tpu.memory_space<hbm>>) target(%dma_start3A_40 : memref<128xf32, #tpu.memory_space<vmem>>) offsets(%dma_start3A_43 : memref<128xi32, #tpu.memory_space<vmem>>) semaphore(%arg11 : memref<!tpu.dma_semaphore, #tpu.memory_space<semaphore_mem>>)
    }
    %scan3A_7 = arith.constant 96 : i32
    %scan3A_8 = arith.constant 0 : i32
    %scan3A_9 = arith.constant 0 : i32
    %scan3A_10 = arith.constant 4 : i32
    %scan3A_11 = arith.addi %scan3A_9, %scan3A_10 : i32
    %scan3A_12 = arith.constant 1 : i32
    scf.for %scan3A_38 = %scan3A_9 to %scan3A_11 step %scan3A_12  : i32 {
      %mul3A_39 = arith.constant 8 : i32
      %mul3A_40 = arith.muli %scan3A_38, %mul3A_39 : i32
      %add3A_41 = arith.constant 0 : i32
      %add3A_42 = arith.addi %mul3A_40, %add3A_41 : i32
      %add3A_43 = arith.constant 96 : i32
      %add3A_44 = arith.addi %add3A_42, %add3A_43 : i32
      %dma_start3A = arith.constant 0 : i32
      %dma_start3A_45 = tpu.memref_slice %arg9[%add3A_44, %dma_start3A] : memref<128x128xf32, #tpu.memory_space<vmem>> -> memref<1x128xf32, #tpu.memory_space<vmem>>
      %dma_start3A_46 = tpu.memref_squeeze %dma_start3A_45 : memref<1x128xf32, #tpu.memory_space<vmem>> -> memref<128xf32, #tpu.memory_space<vmem>>
      %dma_start3A_47 = arith.constant 0 : i32
      %dma_start3A_48 = tpu.memref_slice %arg7[%add3A_44, %dma_start3A_47] : memref<128x128xi32, #tpu.memory_space<vmem>> -> memref<1x128xi32, #tpu.memory_space<vmem>>
      %dma_start3A_49 = tpu.memref_squeeze %dma_start3A_48 : memref<1x128xi32, #tpu.memory_space<vmem>> -> memref<128xi32, #tpu.memory_space<vmem>>
      %dma_start3A_50 = arith.constant 0 : i32
      %dma_start3A_51 = tpu.memref_slice %arg4[%dma_start3A_50] : memref<1000000xf32, #tpu.memory_space<hbm>> -> memref<1000000xf32, #tpu.memory_space<hbm>>
      tpu.enqueue_indirect_dma source(%dma_start3A_51 : memref<1000000xf32, #tpu.memory_space<hbm>>) target(%dma_start3A_46 : memref<128xf32, #tpu.memory_space<vmem>>) offsets(%dma_start3A_49 : memref<128xi32, #tpu.memory_space<vmem>>) semaphore(%arg11 : memref<!tpu.dma_semaphore, #tpu.memory_space<semaphore_mem>>)
      %add3A_52 = arith.constant 0 : i32
      %add3A_53 = arith.addi %mul3A_40, %add3A_52 : i32
      %dma_wait3A = arith.constant 0 : i32
      %dma_wait3A_54 = tpu.memref_slice %arg9[%add3A_53, %dma_wait3A] : memref<128x128xf32, #tpu.memory_space<vmem>> -> memref<1x128xf32, #tpu.memory_space<vmem>>
      %dma_wait3A_55 = tpu.memref_squeeze %dma_wait3A_54 : memref<1x128xf32, #tpu.memory_space<vmem>> -> memref<128xf32, #tpu.memory_space<vmem>>
      %dma_wait3A_56 = arith.constant 0 : i32
      %dma_wait3A_57 = tpu.memref_slice %arg7[%add3A_53, %dma_wait3A_56] : memref<128x128xi32, #tpu.memory_space<vmem>> -> memref<1x128xi32, #tpu.memory_space<vmem>>
      %dma_wait3A_58 = tpu.memref_squeeze %dma_wait3A_57 : memref<1x128xi32, #tpu.memory_space<vmem>> -> memref<128xi32, #tpu.memory_space<vmem>>
      %dma_wait3A_59 = arith.constant 0 : i32
      %dma_wait3A_60 = tpu.memref_slice %arg4[%dma_wait3A_59] : memref<1000000xf32, #tpu.memory_space<hbm>> -> memref<1000000xf32, #tpu.memory_space<hbm>>
      tpu.wait_indirect_dma semaphore(%arg11 : memref<!tpu.dma_semaphore, #tpu.memory_space<semaphore_mem>>) src(%dma_wait3A_60 : memref<1000000xf32, #tpu.memory_space<hbm>>) dst(%dma_wait3A_55 : memref<128xf32, #tpu.memory_space<vmem>>)
      %add3A_61 = arith.constant 1 : i32
      %add3A_62 = arith.addi %mul3A_40, %add3A_61 : i32
      %add3A_63 = arith.constant 96 : i32
      %add3A_64 = arith.addi %add3A_62, %add3A_63 : i32
      %dma_start3A_65 = arith.constant 0 : i32
      %dma_start3A_66 = tpu.memref_slice %arg9[%add3A_64, %dma_start3A_65] : memref<128x128xf32, #tpu.memory_space<vmem>> -> memref<1x128xf32, #tpu.memory_space<vmem>>
      %dma_start3A_67 = tpu.memref_squeeze %dma_start3A_66 : memref<1x128xf32, #tpu.memory_space<vmem>> -> memref<128xf32, #tpu.memory_space<vmem>>
      %dma_start3A_68 = arith.constant 0 : i32
      %dma_start3A_69 = tpu.memref_slice %arg7[%add3A_64, %dma_start3A_68] : memref<128x128xi32, #tpu.memory_space<vmem>> -> memref<1x128xi32, #tpu.memory_space<vmem>>
      %dma_start3A_70 = tpu.memref_squeeze %dma_start3A_69 : memref<1x128xi32, #tpu.memory_space<vmem>> -> memref<128xi32, #tpu.memory_space<vmem>>
      %dma_start3A_71 = arith.constant 0 : i32
      %dma_start3A_72 = tpu.memref_slice %arg4[%dma_start3A_71] : memref<1000000xf32, #tpu.memory_space<hbm>> -> memref<1000000xf32, #tpu.memory_space<hbm>>
      tpu.enqueue_indirect_dma source(%dma_start3A_72 : memref<1000000xf32, #tpu.memory_space<hbm>>) target(%dma_start3A_67 : memref<128xf32, #tpu.memory_space<vmem>>) offsets(%dma_start3A_70 : memref<128xi32, #tpu.memory_space<vmem>>) semaphore(%arg11 : memref<!tpu.dma_semaphore, #tpu.memory_space<semaphore_mem>>)
      %add3A_73 = arith.constant 1 : i32
      %add3A_74 = arith.addi %mul3A_40, %add3A_73 : i32
      %dma_wait3A_75 = arith.constant 0 : i32
      %dma_wait3A_76 = tpu.memref_slice %arg9[%add3A_74, %dma_wait3A_75] : memref<128x128xf32, #tpu.memory_space<vmem>> -> memref<1x128xf32, #tpu.memory_space<vmem>>
      %dma_wait3A_77 = tpu.memref_squeeze %dma_wait3A_76 : memref<1x128xf32, #tpu.memory_space<vmem>> -> memref<128xf32, #tpu.memory_space<vmem>>
      %dma_wait3A_78 = arith.constant 0 : i32
      %dma_wait3A_79 = tpu.memref_slice %arg7[%add3A_74, %dma_wait3A_78] : memref<128x128xi32, #tpu.memory_space<vmem>> -> memref<1x128xi32, #tpu.memory_space<vmem>>
      %dma_wait3A_80 = tpu.memref_squeeze %dma_wait3A_79 : memref<1x128xi32, #tpu.memory_space<vmem>> -> memref<128xi32, #tpu.memory_space<vmem>>
      %dma_wait3A_81 = arith.constant 0 : i32
      %dma_wait3A_82 = tpu.memref_slice %arg4[%dma_wait3A_81] : memref<1000000xf32, #tpu.memory_space<hbm>> -> memref<1000000xf32, #tpu.memory_space<hbm>>
      tpu.wait_indirect_dma semaphore(%arg11 : memref<!tpu.dma_semaphore, #tpu.memory_space<semaphore_mem>>) src(%dma_wait3A_82 : memref<1000000xf32, #tpu.memory_space<hbm>>) dst(%dma_wait3A_77 : memref<128xf32, #tpu.memory_space<vmem>>)
      %add3A_83 = arith.constant 2 : i32
      %add3A_84 = arith.addi %mul3A_40, %add3A_83 : i32
      %add3A_85 = arith.constant 96 : i32
      %add3A_86 = arith.addi %add3A_84, %add3A_85 : i32
      %dma_start3A_87 = arith.constant 0 : i32
      %dma_start3A_88 = tpu.memref_slice %arg9[%add3A_86, %dma_start3A_87] : memref<128x128xf32, #tpu.memory_space<vmem>> -> memref<1x128xf32, #tpu.memory_space<vmem>>
      %dma_start3A_89 = tpu.memref_squeeze %dma_start3A_88 : memref<1x128xf32, #tpu.memory_space<vmem>> -> memref<128xf32, #tpu.memory_space<vmem>>
      %dma_start3A_90 = arith.constant 0 : i32
      %dma_start3A_91 = tpu.memref_slice %arg7[%add3A_86, %dma_start3A_90] : memref<128x128xi32, #tpu.memory_space<vmem>> -> memref<1x128xi32, #tpu.memory_space<vmem>>
      %dma_start3A_92 = tpu.memref_squeeze %dma_start3A_91 : memref<1x128xi32, #tpu.memory_space<vmem>> -> memref<128xi32, #tpu.memory_space<vmem>>
      %dma_start3A_93 = arith.constant 0 : i32
      %dma_start3A_94 = tpu.memref_slice %arg4[%dma_start3A_93] : memref<1000000xf32, #tpu.memory_space<hbm>> -> memref<1000000xf32, #tpu.memory_space<hbm>>
      tpu.enqueue_indirect_dma source(%dma_start3A_94 : memref<1000000xf32, #tpu.memory_space<hbm>>) target(%dma_start3A_89 : memref<128xf32, #tpu.memory_space<vmem>>) offsets(%dma_start3A_92 : memref<128xi32, #tpu.memory_space<vmem>>) semaphore(%arg11 : memref<!tpu.dma_semaphore, #tpu.memory_space<semaphore_mem>>)
      %add3A_95 = arith.constant 2 : i32
      %add3A_96 = arith.addi %mul3A_40, %add3A_95 : i32
      %dma_wait3A_97 = arith.constant 0 : i32
      %dma_wait3A_98 = tpu.memref_slice %arg9[%add3A_96, %dma_wait3A_97] : memref<128x128xf32, #tpu.memory_space<vmem>> -> memref<1x128xf32, #tpu.memory_space<vmem>>
      %dma_wait3A_99 = tpu.memref_squeeze %dma_wait3A_98 : memref<1x128xf32, #tpu.memory_space<vmem>> -> memref<128xf32, #tpu.memory_space<vmem>>
      %dma_wait3A_100 = arith.constant 0 : i32
      %dma_wait3A_101 = tpu.memref_slice %arg7[%add3A_96, %dma_wait3A_100] : memref<128x128xi32, #tpu.memory_space<vmem>> -> memref<1x128xi32, #tpu.memory_space<vmem>>
      %dma_wait3A_102 = tpu.memref_squeeze %dma_wait3A_101 : memref<1x128xi32, #tpu.memory_space<vmem>> -> memref<128xi32, #tpu.memory_space<vmem>>
      %dma_wait3A_103 = arith.constant 0 : i32
      %dma_wait3A_104 = tpu.memref_slice %arg4[%dma_wait3A_103] : memref<1000000xf32, #tpu.memory_space<hbm>> -> memref<1000000xf32, #tpu.memory_space<hbm>>
      tpu.wait_indirect_dma semaphore(%arg11 : memref<!tpu.dma_semaphore, #tpu.memory_space<semaphore_mem>>) src(%dma_wait3A_104 : memref<1000000xf32, #tpu.memory_space<hbm>>) dst(%dma_wait3A_99 : memref<128xf32, #tpu.memory_space<vmem>>)
      %add3A_105 = arith.constant 3 : i32
      %add3A_106 = arith.addi %mul3A_40, %add3A_105 : i32
      %add3A_107 = arith.constant 96 : i32
      %add3A_108 = arith.addi %add3A_106, %add3A_107 : i32
      %dma_start3A_109 = arith.constant 0 : i32
      %dma_start3A_110 = tpu.memref_slice %arg9[%add3A_108, %dma_start3A_109] : memref<128x128xf32, #tpu.memory_space<vmem>> -> memref<1x128xf32, #tpu.memory_space<vmem>>
      %dma_start3A_111 = tpu.memref_squeeze %dma_start3A_110 : memref<1x128xf32, #tpu.memory_space<vmem>> -> memref<128xf32, #tpu.memory_space<vmem>>
      %dma_start3A_112 = arith.constant 0 : i32
      %dma_start3A_113 = tpu.memref_slice %arg7[%add3A_108, %dma_start3A_112] : memref<128x128xi32, #tpu.memory_space<vmem>> -> memref<1x128xi32, #tpu.memory_space<vmem>>
      %dma_start3A_114 = tpu.memref_squeeze %dma_start3A_113 : memref<1x128xi32, #tpu.memory_space<vmem>> -> memref<128xi32, #tpu.memory_space<vmem>>
      %dma_start3A_115 = arith.constant 0 : i32
      %dma_start3A_116 = tpu.memref_slice %arg4[%dma_start3A_115] : memref<1000000xf32, #tpu.memory_space<hbm>> -> memref<1000000xf32, #tpu.memory_space<hbm>>
      tpu.enqueue_indirect_dma source(%dma_start3A_116 : memref<1000000xf32, #tpu.memory_space<hbm>>) target(%dma_start3A_111 : memref<128xf32, #tpu.memory_space<vmem>>) offsets(%dma_start3A_114 : memref<128xi32, #tpu.memory_space<vmem>>) semaphore(%arg11 : memref<!tpu.dma_semaphore, #tpu.memory_space<semaphore_mem>>)
      %add3A_117 = arith.constant 3 : i32
      %add3A_118 = arith.addi %mul3A_40, %add3A_117 : i32
      %dma_wait3A_119 = arith.constant 0 : i32
      %dma_wait3A_120 = tpu.memref_slice %arg9[%add3A_118, %dma_wait3A_119] : memref<128x128xf32, #tpu.memory_space<vmem>> -> memref<1x128xf32, #tpu.memory_space<vmem>>
      %dma_wait3A_121 = tpu.memref_squeeze %dma_wait3A_120 : memref<1x128xf32, #tpu.memory_space<vmem>> -> memref<128xf32, #tpu.memory_space<vmem>>
      %dma_wait3A_122 = arith.constant 0 : i32
      %dma_wait3A_123 = tpu.memref_slice %arg7[%add3A_118, %dma_wait3A_122] : memref<128x128xi32, #tpu.memory_space<vmem>> -> memref<1x128xi32, #tpu.memory_space<vmem>>
      %dma_wait3A_124 = tpu.memref_squeeze %dma_wait3A_123 : memref<1x128xi32, #tpu.memory_space<vmem>> -> memref<128xi32, #tpu.memory_space<vmem>>
      %dma_wait3A_125 = arith.constant 0 : i32
      %dma_wait3A_126 = tpu.memref_slice %arg4[%dma_wait3A_125] : memref<1000000xf32, #tpu.memory_space<hbm>> -> memref<1000000xf32, #tpu.memory_space<hbm>>
      tpu.wait_indirect_dma semaphore(%arg11 : memref<!tpu.dma_semaphore, #tpu.memory_space<semaphore_mem>>) src(%dma_wait3A_126 : memref<1000000xf32, #tpu.memory_space<hbm>>) dst(%dma_wait3A_121 : memref<128xf32, #tpu.memory_space<vmem>>)
      %add3A_127 = arith.constant 4 : i32
      %add3A_128 = arith.addi %mul3A_40, %add3A_127 : i32
      %add3A_129 = arith.constant 96 : i32
      %add3A_130 = arith.addi %add3A_128, %add3A_129 : i32
      %dma_start3A_131 = arith.constant 0 : i32
      %dma_start3A_132 = tpu.memref_slice %arg9[%add3A_130, %dma_start3A_131] : memref<128x128xf32, #tpu.memory_space<vmem>> -> memref<1x128xf32, #tpu.memory_space<vmem>>
      %dma_start3A_133 = tpu.memref_squeeze %dma_start3A_132 : memref<1x128xf32, #tpu.memory_space<vmem>> -> memref<128xf32, #tpu.memory_space<vmem>>
      %dma_start3A_134 = arith.constant 0 : i32
      %dma_start3A_135 = tpu.memref_slice %arg7[%add3A_130, %dma_start3A_134] : memref<128x128xi32, #tpu.memory_space<vmem>> -> memref<1x128xi32, #tpu.memory_space<vmem>>
      %dma_start3A_136 = tpu.memref_squeeze %dma_start3A_135 : memref<1x128xi32, #tpu.memory_space<vmem>> -> memref<128xi32, #tpu.memory_space<vmem>>
      %dma_start3A_137 = arith.constant 0 : i32
      %dma_start3A_138 = tpu.memref_slice %arg4[%dma_start3A_137] : memref<1000000xf32, #tpu.memory_space<hbm>> -> memref<1000000xf32, #tpu.memory_space<hbm>>
      tpu.enqueue_indirect_dma source(%dma_start3A_138 : memref<1000000xf32, #tpu.memory_space<hbm>>) target(%dma_start3A_133 : memref<128xf32, #tpu.memory_space<vmem>>) offsets(%dma_start3A_136 : memref<128xi32, #tpu.memory_space<vmem>>) semaphore(%arg11 : memref<!tpu.dma_semaphore, #tpu.memory_space<semaphore_mem>>)
      %add3A_139 = arith.constant 4 : i32
      %add3A_140 = arith.addi %mul3A_40, %add3A_139 : i32
      %dma_wait3A_141 = arith.constant 0 : i32
      %dma_wait3A_142 = tpu.memref_slice %arg9[%add3A_140, %dma_wait3A_141] : memref<128x128xf32, #tpu.memory_space<vmem>> -> memref<1x128xf32, #tpu.memory_space<vmem>>
      %dma_wait3A_143 = tpu.memref_squeeze %dma_wait3A_142 : memref<1x128xf32, #tpu.memory_space<vmem>> -> memref<128xf32, #tpu.memory_space<vmem>>
      %dma_wait3A_144 = arith.constant 0 : i32
      %dma_wait3A_145 = tpu.memref_slice %arg7[%add3A_140, %dma_wait3A_144] : memref<128x128xi32, #tpu.memory_space<vmem>> -> memref<1x128xi32, #tpu.memory_space<vmem>>
      %dma_wait3A_146 = tpu.memref_squeeze %dma_wait3A_145 : memref<1x128xi32, #tpu.memory_space<vmem>> -> memref<128xi32, #tpu.memory_space<vmem>>
      %dma_wait3A_147 = arith.constant 0 : i32
      %dma_wait3A_148 = tpu.memref_slice %arg4[%dma_wait3A_147] : memref<1000000xf32, #tpu.memory_space<hbm>> -> memref<1000000xf32, #tpu.memory_space<hbm>>
      tpu.wait_indirect_dma semaphore(%arg11 : memref<!tpu.dma_semaphore, #tpu.memory_space<semaphore_mem>>) src(%dma_wait3A_148 : memref<1000000xf32, #tpu.memory_space<hbm>>) dst(%dma_wait3A_143 : memref<128xf32, #tpu.memory_space<vmem>>)
      %add3A_149 = arith.constant 5 : i32
      %add3A_150 = arith.addi %mul3A_40, %add3A_149 : i32
      %add3A_151 = arith.constant 96 : i32
      %add3A_152 = arith.addi %add3A_150, %add3A_151 : i32
      %dma_start3A_153 = arith.constant 0 : i32
      %dma_start3A_154 = tpu.memref_slice %arg9[%add3A_152, %dma_start3A_153] : memref<128x128xf32, #tpu.memory_space<vmem>> -> memref<1x128xf32, #tpu.memory_space<vmem>>
      %dma_start3A_155 = tpu.memref_squeeze %dma_start3A_154 : memref<1x128xf32, #tpu.memory_space<vmem>> -> memref<128xf32, #tpu.memory_space<vmem>>
      %dma_start3A_156 = arith.constant 0 : i32
      %dma_start3A_157 = tpu.memref_slice %arg7[%add3A_152, %dma_start3A_156] : memref<128x128xi32, #tpu.memory_space<vmem>> -> memref<1x128xi32, #tpu.memory_space<vmem>>
      %dma_start3A_158 = tpu.memref_squeeze %dma_start3A_157 : memref<1x128xi32, #tpu.memory_space<vmem>> -> memref<128xi32, #tpu.memory_space<vmem>>
      %dma_start3A_159 = arith.constant 0 : i32
      %dma_start3A_160 = tpu.memref_slice %arg4[%dma_start3A_159] : memref<1000000xf32, #tpu.memory_space<hbm>> -> memref<1000000xf32, #tpu.memory_space<hbm>>
      tpu.enqueue_indirect_dma source(%dma_start3A_160 : memref<1000000xf32, #tpu.memory_space<hbm>>) target(%dma_start3A_155 : memref<128xf32, #tpu.memory_space<vmem>>) offsets(%dma_start3A_158 : memref<128xi32, #tpu.memory_space<vmem>>) semaphore(%arg11 : memref<!tpu.dma_semaphore, #tpu.memory_space<semaphore_mem>>)
      %add3A_161 = arith.constant 5 : i32
      %add3A_162 = arith.addi %mul3A_40, %add3A_161 : i32
      %dma_wait3A_163 = arith.constant 0 : i32
      %dma_wait3A_164 = tpu.memref_slice %arg9[%add3A_162, %dma_wait3A_163] : memref<128x128xf32, #tpu.memory_space<vmem>> -> memref<1x128xf32, #tpu.memory_space<vmem>>
      %dma_wait3A_165 = tpu.memref_squeeze %dma_wait3A_164 : memref<1x128xf32, #tpu.memory_space<vmem>> -> memref<128xf32, #tpu.memory_space<vmem>>
      %dma_wait3A_166 = arith.constant 0 : i32
      %dma_wait3A_167 = tpu.memref_slice %arg7[%add3A_162, %dma_wait3A_166] : memref<128x128xi32, #tpu.memory_space<vmem>> -> memref<1x128xi32, #tpu.memory_space<vmem>>
      %dma_wait3A_168 = tpu.memref_squeeze %dma_wait3A_167 : memref<1x128xi32, #tpu.memory_space<vmem>> -> memref<128xi32, #tpu.memory_space<vmem>>
      %dma_wait3A_169 = arith.constant 0 : i32
      %dma_wait3A_170 = tpu.memref_slice %arg4[%dma_wait3A_169] : memref<1000000xf32, #tpu.memory_space<hbm>> -> memref<1000000xf32, #tpu.memory_space<hbm>>
      tpu.wait_indirect_dma semaphore(%arg11 : memref<!tpu.dma_semaphore, #tpu.memory_space<semaphore_mem>>) src(%dma_wait3A_170 : memref<1000000xf32, #tpu.memory_space<hbm>>) dst(%dma_wait3A_165 : memref<128xf32, #tpu.memory_space<vmem>>)
      %add3A_171 = arith.constant 6 : i32
      %add3A_172 = arith.addi %mul3A_40, %add3A_171 : i32
      %add3A_173 = arith.constant 96 : i32
      %add3A_174 = arith.addi %add3A_172, %add3A_173 : i32
      %dma_start3A_175 = arith.constant 0 : i32
      %dma_start3A_176 = tpu.memref_slice %arg9[%add3A_174, %dma_start3A_175] : memref<128x128xf32, #tpu.memory_space<vmem>> -> memref<1x128xf32, #tpu.memory_space<vmem>>
      %dma_start3A_177 = tpu.memref_squeeze %dma_start3A_176 : memref<1x128xf32, #tpu.memory_space<vmem>> -> memref<128xf32, #tpu.memory_space<vmem>>
      %dma_start3A_178 = arith.constant 0 : i32
      %dma_start3A_179 = tpu.memref_slice %arg7[%add3A_174, %dma_start3A_178] : memref<128x128xi32, #tpu.memory_space<vmem>> -> memref<1x128xi32, #tpu.memory_space<vmem>>
      %dma_start3A_180 = tpu.memref_squeeze %dma_start3A_179 : memref<1x128xi32, #tpu.memory_space<vmem>> -> memref<128xi32, #tpu.memory_space<vmem>>
      %dma_start3A_181 = arith.constant 0 : i32
      %dma_start3A_182 = tpu.memref_slice %arg4[%dma_start3A_181] : memref<1000000xf32, #tpu.memory_space<hbm>> -> memref<1000000xf32, #tpu.memory_space<hbm>>
      tpu.enqueue_indirect_dma source(%dma_start3A_182 : memref<1000000xf32, #tpu.memory_space<hbm>>) target(%dma_start3A_177 : memref<128xf32, #tpu.memory_space<vmem>>) offsets(%dma_start3A_180 : memref<128xi32, #tpu.memory_space<vmem>>) semaphore(%arg11 : memref<!tpu.dma_semaphore, #tpu.memory_space<semaphore_mem>>)
      %add3A_183 = arith.constant 6 : i32
      %add3A_184 = arith.addi %mul3A_40, %add3A_183 : i32
      %dma_wait3A_185 = arith.constant 0 : i32
      %dma_wait3A_186 = tpu.memref_slice %arg9[%add3A_184, %dma_wait3A_185] : memref<128x128xf32, #tpu.memory_space<vmem>> -> memref<1x128xf32, #tpu.memory_space<vmem>>
      %dma_wait3A_187 = tpu.memref_squeeze %dma_wait3A_186 : memref<1x128xf32, #tpu.memory_space<vmem>> -> memref<128xf32, #tpu.memory_space<vmem>>
      %dma_wait3A_188 = arith.constant 0 : i32
      %dma_wait3A_189 = tpu.memref_slice %arg7[%add3A_184, %dma_wait3A_188] : memref<128x128xi32, #tpu.memory_space<vmem>> -> memref<1x128xi32, #tpu.memory_space<vmem>>
      %dma_wait3A_190 = tpu.memref_squeeze %dma_wait3A_189 : memref<1x128xi32, #tpu.memory_space<vmem>> -> memref<128xi32, #tpu.memory_space<vmem>>
      %dma_wait3A_191 = arith.constant 0 : i32
      %dma_wait3A_192 = tpu.memref_slice %arg4[%dma_wait3A_191] : memref<1000000xf32, #tpu.memory_space<hbm>> -> memref<1000000xf32, #tpu.memory_space<hbm>>
      tpu.wait_indirect_dma semaphore(%arg11 : memref<!tpu.dma_semaphore, #tpu.memory_space<semaphore_mem>>) src(%dma_wait3A_192 : memref<1000000xf32, #tpu.memory_space<hbm>>) dst(%dma_wait3A_187 : memref<128xf32, #tpu.memory_space<vmem>>)
      %add3A_193 = arith.constant 7 : i32
      %add3A_194 = arith.addi %mul3A_40, %add3A_193 : i32
      %add3A_195 = arith.constant 96 : i32
      %add3A_196 = arith.addi %add3A_194, %add3A_195 : i32
      %dma_start3A_197 = arith.constant 0 : i32
      %dma_start3A_198 = tpu.memref_slice %arg9[%add3A_196, %dma_start3A_197] : memref<128x128xf32, #tpu.memory_space<vmem>> -> memref<1x128xf32, #tpu.memory_space<vmem>>
      %dma_start3A_199 = tpu.memref_squeeze %dma_start3A_198 : memref<1x128xf32, #tpu.memory_space<vmem>> -> memref<128xf32, #tpu.memory_space<vmem>>
      %dma_start3A_200 = arith.constant 0 : i32
      %dma_start3A_201 = tpu.memref_slice %arg7[%add3A_196, %dma_start3A_200] : memref<128x128xi32, #tpu.memory_space<vmem>> -> memref<1x128xi32, #tpu.memory_space<vmem>>
      %dma_start3A_202 = tpu.memref_squeeze %dma_start3A_201 : memref<1x128xi32, #tpu.memory_space<vmem>> -> memref<128xi32, #tpu.memory_space<vmem>>
      %dma_start3A_203 = arith.constant 0 : i32
      %dma_start3A_204 = tpu.memref_slice %arg4[%dma_start3A_203] : memref<1000000xf32, #tpu.memory_space<hbm>> -> memref<1000000xf32, #tpu.memory_space<hbm>>
      tpu.enqueue_indirect_dma source(%dma_start3A_204 : memref<1000000xf32, #tpu.memory_space<hbm>>) target(%dma_start3A_199 : memref<128xf32, #tpu.memory_space<vmem>>) offsets(%dma_start3A_202 : memref<128xi32, #tpu.memory_space<vmem>>) semaphore(%arg11 : memref<!tpu.dma_semaphore, #tpu.memory_space<semaphore_mem>>)
      %add3A_205 = arith.constant 7 : i32
      %add3A_206 = arith.addi %mul3A_40, %add3A_205 : i32
      %dma_wait3A_207 = arith.constant 0 : i32
      %dma_wait3A_208 = tpu.memref_slice %arg9[%add3A_206, %dma_wait3A_207] : memref<128x128xf32, #tpu.memory_space<vmem>> -> memref<1x128xf32, #tpu.memory_space<vmem>>
      %dma_wait3A_209 = tpu.memref_squeeze %dma_wait3A_208 : memref<1x128xf32, #tpu.memory_space<vmem>> -> memref<128xf32, #tpu.memory_space<vmem>>
      %dma_wait3A_210 = arith.constant 0 : i32
      %dma_wait3A_211 = tpu.memref_slice %arg7[%add3A_206, %dma_wait3A_210] : memref<128x128xi32, #tpu.memory_space<vmem>> -> memref<1x128xi32, #tpu.memory_space<vmem>>
      %dma_wait3A_212 = tpu.memref_squeeze %dma_wait3A_211 : memref<1x128xi32, #tpu.memory_space<vmem>> -> memref<128xi32, #tpu.memory_space<vmem>>
      %dma_wait3A_213 = arith.constant 0 : i32
      %dma_wait3A_214 = tpu.memref_slice %arg4[%dma_wait3A_213] : memref<1000000xf32, #tpu.memory_space<hbm>> -> memref<1000000xf32, #tpu.memory_space<hbm>>
      tpu.wait_indirect_dma semaphore(%arg11 : memref<!tpu.dma_semaphore, #tpu.memory_space<semaphore_mem>>) src(%dma_wait3A_214 : memref<1000000xf32, #tpu.memory_space<hbm>>) dst(%dma_wait3A_209 : memref<128xf32, #tpu.memory_space<vmem>>)
    }
    %scan3A_13 = arith.constant 4 : i32
    %scan3A_14 = arith.constant 0 : i32
    %scan3A_15 = arith.constant 32 : i32
    %scan3A_16 = arith.constant 96 : i32
    %scan3A_17 = arith.addi %scan3A_15, %scan3A_16 : i32
    %scan3A_18 = arith.constant 1 : i32
    scf.for %scan3A_38 = %scan3A_15 to %scan3A_17 step %scan3A_18  : i32 {
      %dma_wait3A = arith.constant 0 : i32
      %dma_wait3A_39 = tpu.memref_slice %arg9[%scan3A_38, %dma_wait3A] : memref<128x128xf32, #tpu.memory_space<vmem>> -> memref<1x128xf32, #tpu.memory_space<vmem>>
      %dma_wait3A_40 = tpu.memref_squeeze %dma_wait3A_39 : memref<1x128xf32, #tpu.memory_space<vmem>> -> memref<128xf32, #tpu.memory_space<vmem>>
      %dma_wait3A_41 = arith.constant 0 : i32
      %dma_wait3A_42 = tpu.memref_slice %arg7[%scan3A_38, %dma_wait3A_41] : memref<128x128xi32, #tpu.memory_space<vmem>> -> memref<1x128xi32, #tpu.memory_space<vmem>>
      %dma_wait3A_43 = tpu.memref_squeeze %dma_wait3A_42 : memref<1x128xi32, #tpu.memory_space<vmem>> -> memref<128xi32, #tpu.memory_space<vmem>>
      %dma_wait3A_44 = arith.constant 0 : i32
      %dma_wait3A_45 = tpu.memref_slice %arg4[%dma_wait3A_44] : memref<1000000xf32, #tpu.memory_space<hbm>> -> memref<1000000xf32, #tpu.memory_space<hbm>>
      tpu.wait_indirect_dma semaphore(%arg11 : memref<!tpu.dma_semaphore, #tpu.memory_space<semaphore_mem>>) src(%dma_wait3A_45 : memref<1000000xf32, #tpu.memory_space<hbm>>) dst(%dma_wait3A_40 : memref<128xf32, #tpu.memory_space<vmem>>)
    }
    %scan3A_19 = arith.constant 96 : i32
    %scan3A_20 = arith.constant 0 : i32
    %scan3A_21 = arith.constant 0 : i32
    %scan3A_22 = arith.constant 96 : i32
    %scan3A_23 = arith.addi %scan3A_21, %scan3A_22 : i32
    %scan3A_24 = arith.constant 1 : i32
    scf.for %scan3A_38 = %scan3A_21 to %scan3A_23 step %scan3A_24  : i32 {
      %dma_start3A = arith.constant 0 : i32
      %dma_start3A_39 = tpu.memref_slice %arg10[%scan3A_38, %dma_start3A] : memref<128x128xf32, #tpu.memory_space<vmem>> -> memref<1x72xf32, #tpu.memory_space<vmem>>
      %dma_start3A_40 = tpu.memref_squeeze %dma_start3A_39 : memref<1x72xf32, #tpu.memory_space<vmem>> -> memref<72xf32, #tpu.memory_space<vmem>>
      %dma_start3A_41 = arith.constant 0 : i32
      %dma_start3A_42 = tpu.memref_slice %arg8[%scan3A_38, %dma_start3A_41] : memref<128x128xi32, #tpu.memory_space<vmem>> -> memref<1x72xi32, #tpu.memory_space<vmem>>
      %dma_start3A_43 = tpu.memref_squeeze %dma_start3A_42 : memref<1x72xi32, #tpu.memory_space<vmem>> -> memref<72xi32, #tpu.memory_space<vmem>>
      %dma_start3A_44 = arith.constant 0 : i32
      %dma_start3A_45 = tpu.memref_slice %arg4[%dma_start3A_44] : memref<1000000xf32, #tpu.memory_space<hbm>> -> memref<1000000xf32, #tpu.memory_space<hbm>>
      tpu.enqueue_indirect_dma source(%dma_start3A_45 : memref<1000000xf32, #tpu.memory_space<hbm>>) target(%dma_start3A_40 : memref<72xf32, #tpu.memory_space<vmem>>) offsets(%dma_start3A_43 : memref<72xi32, #tpu.memory_space<vmem>>) semaphore(%arg11 : memref<!tpu.dma_semaphore, #tpu.memory_space<semaphore_mem>>)
    }
    %scan3A_25 = arith.constant 96 : i32
    %scan3A_26 = arith.constant 0 : i32
    %scan3A_27 = arith.constant 0 : i32
    %scan3A_28 = arith.constant 4 : i32
    %scan3A_29 = arith.addi %scan3A_27, %scan3A_28 : i32
    %scan3A_30 = arith.constant 1 : i32
    scf.for %scan3A_38 = %scan3A_27 to %scan3A_29 step %scan3A_30  : i32 {
      %mul3A_39 = arith.constant 8 : i32
      %mul3A_40 = arith.muli %scan3A_38, %mul3A_39 : i32
      %add3A_41 = arith.constant 0 : i32
      %add3A_42 = arith.addi %mul3A_40, %add3A_41 : i32
      %add3A_43 = arith.constant 96 : i32
      %add3A_44 = arith.addi %add3A_42, %add3A_43 : i32
      %dma_start3A = arith.constant 0 : i32
      %dma_start3A_45 = tpu.memref_slice %arg10[%add3A_44, %dma_start3A] : memref<128x128xf32, #tpu.memory_space<vmem>> -> memref<1x72xf32, #tpu.memory_space<vmem>>
      %dma_start3A_46 = tpu.memref_squeeze %dma_start3A_45 : memref<1x72xf32, #tpu.memory_space<vmem>> -> memref<72xf32, #tpu.memory_space<vmem>>
      %dma_start3A_47 = arith.constant 0 : i32
      %dma_start3A_48 = tpu.memref_slice %arg8[%add3A_44, %dma_start3A_47] : memref<128x128xi32, #tpu.memory_space<vmem>> -> memref<1x72xi32, #tpu.memory_space<vmem>>
      %dma_start3A_49 = tpu.memref_squeeze %dma_start3A_48 : memref<1x72xi32, #tpu.memory_space<vmem>> -> memref<72xi32, #tpu.memory_space<vmem>>
      %dma_start3A_50 = arith.constant 0 : i32
      %dma_start3A_51 = tpu.memref_slice %arg4[%dma_start3A_50] : memref<1000000xf32, #tpu.memory_space<hbm>> -> memref<1000000xf32, #tpu.memory_space<hbm>>
      tpu.enqueue_indirect_dma source(%dma_start3A_51 : memref<1000000xf32, #tpu.memory_space<hbm>>) target(%dma_start3A_46 : memref<72xf32, #tpu.memory_space<vmem>>) offsets(%dma_start3A_49 : memref<72xi32, #tpu.memory_space<vmem>>) semaphore(%arg11 : memref<!tpu.dma_semaphore, #tpu.memory_space<semaphore_mem>>)
      %add3A_52 = arith.constant 0 : i32
      %add3A_53 = arith.addi %mul3A_40, %add3A_52 : i32
      %dma_wait3A = arith.constant 0 : i32
      %dma_wait3A_54 = tpu.memref_slice %arg10[%add3A_53, %dma_wait3A] : memref<128x128xf32, #tpu.memory_space<vmem>> -> memref<1x72xf32, #tpu.memory_space<vmem>>
      %dma_wait3A_55 = tpu.memref_squeeze %dma_wait3A_54 : memref<1x72xf32, #tpu.memory_space<vmem>> -> memref<72xf32, #tpu.memory_space<vmem>>
      %dma_wait3A_56 = arith.constant 0 : i32
      %dma_wait3A_57 = tpu.memref_slice %arg8[%add3A_53, %dma_wait3A_56] : memref<128x128xi32, #tpu.memory_space<vmem>> -> memref<1x72xi32, #tpu.memory_space<vmem>>
      %dma_wait3A_58 = tpu.memref_squeeze %dma_wait3A_57 : memref<1x72xi32, #tpu.memory_space<vmem>> -> memref<72xi32, #tpu.memory_space<vmem>>
      %dma_wait3A_59 = arith.constant 0 : i32
      %dma_wait3A_60 = tpu.memref_slice %arg4[%dma_wait3A_59] : memref<1000000xf32, #tpu.memory_space<hbm>> -> memref<1000000xf32, #tpu.memory_space<hbm>>
      tpu.wait_indirect_dma semaphore(%arg11 : memref<!tpu.dma_semaphore, #tpu.memory_space<semaphore_mem>>) src(%dma_wait3A_60 : memref<1000000xf32, #tpu.memory_space<hbm>>) dst(%dma_wait3A_55 : memref<72xf32, #tpu.memory_space<vmem>>)
      %add3A_61 = arith.constant 1 : i32
      %add3A_62 = arith.addi %mul3A_40, %add3A_61 : i32
      %add3A_63 = arith.constant 96 : i32
      %add3A_64 = arith.addi %add3A_62, %add3A_63 : i32
      %dma_start3A_65 = arith.constant 0 : i32
      %dma_start3A_66 = tpu.memref_slice %arg10[%add3A_64, %dma_start3A_65] : memref<128x128xf32, #tpu.memory_space<vmem>> -> memref<1x72xf32, #tpu.memory_space<vmem>>
      %dma_start3A_67 = tpu.memref_squeeze %dma_start3A_66 : memref<1x72xf32, #tpu.memory_space<vmem>> -> memref<72xf32, #tpu.memory_space<vmem>>
      %dma_start3A_68 = arith.constant 0 : i32
      %dma_start3A_69 = tpu.memref_slice %arg8[%add3A_64, %dma_start3A_68] : memref<128x128xi32, #tpu.memory_space<vmem>> -> memref<1x72xi32, #tpu.memory_space<vmem>>
      %dma_start3A_70 = tpu.memref_squeeze %dma_start3A_69 : memref<1x72xi32, #tpu.memory_space<vmem>> -> memref<72xi32, #tpu.memory_space<vmem>>
      %dma_start3A_71 = arith.constant 0 : i32
      %dma_start3A_72 = tpu.memref_slice %arg4[%dma_start3A_71] : memref<1000000xf32, #tpu.memory_space<hbm>> -> memref<1000000xf32, #tpu.memory_space<hbm>>
      tpu.enqueue_indirect_dma source(%dma_start3A_72 : memref<1000000xf32, #tpu.memory_space<hbm>>) target(%dma_start3A_67 : memref<72xf32, #tpu.memory_space<vmem>>) offsets(%dma_start3A_70 : memref<72xi32, #tpu.memory_space<vmem>>) semaphore(%arg11 : memref<!tpu.dma_semaphore, #tpu.memory_space<semaphore_mem>>)
      %add3A_73 = arith.constant 1 : i32
      %add3A_74 = arith.addi %mul3A_40, %add3A_73 : i32
      %dma_wait3A_75 = arith.constant 0 : i32
      %dma_wait3A_76 = tpu.memref_slice %arg10[%add3A_74, %dma_wait3A_75] : memref<128x128xf32, #tpu.memory_space<vmem>> -> memref<1x72xf32, #tpu.memory_space<vmem>>
      %dma_wait3A_77 = tpu.memref_squeeze %dma_wait3A_76 : memref<1x72xf32, #tpu.memory_space<vmem>> -> memref<72xf32, #tpu.memory_space<vmem>>
      %dma_wait3A_78 = arith.constant 0 : i32
      %dma_wait3A_79 = tpu.memref_slice %arg8[%add3A_74, %dma_wait3A_78] : memref<128x128xi32, #tpu.memory_space<vmem>> -> memref<1x72xi32, #tpu.memory_space<vmem>>
      %dma_wait3A_80 = tpu.memref_squeeze %dma_wait3A_79 : memref<1x72xi32, #tpu.memory_space<vmem>> -> memref<72xi32, #tpu.memory_space<vmem>>
      %dma_wait3A_81 = arith.constant 0 : i32
      %dma_wait3A_82 = tpu.memref_slice %arg4[%dma_wait3A_81] : memref<1000000xf32, #tpu.memory_space<hbm>> -> memref<1000000xf32, #tpu.memory_space<hbm>>
      tpu.wait_indirect_dma semaphore(%arg11 : memref<!tpu.dma_semaphore, #tpu.memory_space<semaphore_mem>>) src(%dma_wait3A_82 : memref<1000000xf32, #tpu.memory_space<hbm>>) dst(%dma_wait3A_77 : memref<72xf32, #tpu.memory_space<vmem>>)
      %add3A_83 = arith.constant 2 : i32
      %add3A_84 = arith.addi %mul3A_40, %add3A_83 : i32
      %add3A_85 = arith.constant 96 : i32
      %add3A_86 = arith.addi %add3A_84, %add3A_85 : i32
      %dma_start3A_87 = arith.constant 0 : i32
      %dma_start3A_88 = tpu.memref_slice %arg10[%add3A_86, %dma_start3A_87] : memref<128x128xf32, #tpu.memory_space<vmem>> -> memref<1x72xf32, #tpu.memory_space<vmem>>
      %dma_start3A_89 = tpu.memref_squeeze %dma_start3A_88 : memref<1x72xf32, #tpu.memory_space<vmem>> -> memref<72xf32, #tpu.memory_space<vmem>>
      %dma_start3A_90 = arith.constant 0 : i32
      %dma_start3A_91 = tpu.memref_slice %arg8[%add3A_86, %dma_start3A_90] : memref<128x128xi32, #tpu.memory_space<vmem>> -> memref<1x72xi32, #tpu.memory_space<vmem>>
      %dma_start3A_92 = tpu.memref_squeeze %dma_start3A_91 : memref<1x72xi32, #tpu.memory_space<vmem>> -> memref<72xi32, #tpu.memory_space<vmem>>
      %dma_start3A_93 = arith.constant 0 : i32
      %dma_start3A_94 = tpu.memref_slice %arg4[%dma_start3A_93] : memref<1000000xf32, #tpu.memory_space<hbm>> -> memref<1000000xf32, #tpu.memory_space<hbm>>
      tpu.enqueue_indirect_dma source(%dma_start3A_94 : memref<1000000xf32, #tpu.memory_space<hbm>>) target(%dma_start3A_89 : memref<72xf32, #tpu.memory_space<vmem>>) offsets(%dma_start3A_92 : memref<72xi32, #tpu.memory_space<vmem>>) semaphore(%arg11 : memref<!tpu.dma_semaphore, #tpu.memory_space<semaphore_mem>>)
      %add3A_95 = arith.constant 2 : i32
      %add3A_96 = arith.addi %mul3A_40, %add3A_95 : i32
      %dma_wait3A_97 = arith.constant 0 : i32
      %dma_wait3A_98 = tpu.memref_slice %arg10[%add3A_96, %dma_wait3A_97] : memref<128x128xf32, #tpu.memory_space<vmem>> -> memref<1x72xf32, #tpu.memory_space<vmem>>
      %dma_wait3A_99 = tpu.memref_squeeze %dma_wait3A_98 : memref<1x72xf32, #tpu.memory_space<vmem>> -> memref<72xf32, #tpu.memory_space<vmem>>
      %dma_wait3A_100 = arith.constant 0 : i32
      %dma_wait3A_101 = tpu.memref_slice %arg8[%add3A_96, %dma_wait3A_100] : memref<128x128xi32, #tpu.memory_space<vmem>> -> memref<1x72xi32, #tpu.memory_space<vmem>>
      %dma_wait3A_102 = tpu.memref_squeeze %dma_wait3A_101 : memref<1x72xi32, #tpu.memory_space<vmem>> -> memref<72xi32, #tpu.memory_space<vmem>>
      %dma_wait3A_103 = arith.constant 0 : i32
      %dma_wait3A_104 = tpu.memref_slice %arg4[%dma_wait3A_103] : memref<1000000xf32, #tpu.memory_space<hbm>> -> memref<1000000xf32, #tpu.memory_space<hbm>>
      tpu.wait_indirect_dma semaphore(%arg11 : memref<!tpu.dma_semaphore, #tpu.memory_space<semaphore_mem>>) src(%dma_wait3A_104 : memref<1000000xf32, #tpu.memory_space<hbm>>) dst(%dma_wait3A_99 : memref<72xf32, #tpu.memory_space<vmem>>)
      %add3A_105 = arith.constant 3 : i32
      %add3A_106 = arith.addi %mul3A_40, %add3A_105 : i32
      %add3A_107 = arith.constant 96 : i32
      %add3A_108 = arith.addi %add3A_106, %add3A_107 : i32
      %dma_start3A_109 = arith.constant 0 : i32
      %dma_start3A_110 = tpu.memref_slice %arg10[%add3A_108, %dma_start3A_109] : memref<128x128xf32, #tpu.memory_space<vmem>> -> memref<1x72xf32, #tpu.memory_space<vmem>>
      %dma_start3A_111 = tpu.memref_squeeze %dma_start3A_110 : memref<1x72xf32, #tpu.memory_space<vmem>> -> memref<72xf32, #tpu.memory_space<vmem>>
      %dma_start3A_112 = arith.constant 0 : i32
      %dma_start3A_113 = tpu.memref_slice %arg8[%add3A_108, %dma_start3A_112] : memref<128x128xi32, #tpu.memory_space<vmem>> -> memref<1x72xi32, #tpu.memory_space<vmem>>
      %dma_start3A_114 = tpu.memref_squeeze %dma_start3A_113 : memref<1x72xi32, #tpu.memory_space<vmem>> -> memref<72xi32, #tpu.memory_space<vmem>>
      %dma_start3A_115 = arith.constant 0 : i32
      %dma_start3A_116 = tpu.memref_slice %arg4[%dma_start3A_115] : memref<1000000xf32, #tpu.memory_space<hbm>> -> memref<1000000xf32, #tpu.memory_space<hbm>>
      tpu.enqueue_indirect_dma source(%dma_start3A_116 : memref<1000000xf32, #tpu.memory_space<hbm>>) target(%dma_start3A_111 : memref<72xf32, #tpu.memory_space<vmem>>) offsets(%dma_start3A_114 : memref<72xi32, #tpu.memory_space<vmem>>) semaphore(%arg11 : memref<!tpu.dma_semaphore, #tpu.memory_space<semaphore_mem>>)
      %add3A_117 = arith.constant 3 : i32
      %add3A_118 = arith.addi %mul3A_40, %add3A_117 : i32
      %dma_wait3A_119 = arith.constant 0 : i32
      %dma_wait3A_120 = tpu.memref_slice %arg10[%add3A_118, %dma_wait3A_119] : memref<128x128xf32, #tpu.memory_space<vmem>> -> memref<1x72xf32, #tpu.memory_space<vmem>>
      %dma_wait3A_121 = tpu.memref_squeeze %dma_wait3A_120 : memref<1x72xf32, #tpu.memory_space<vmem>> -> memref<72xf32, #tpu.memory_space<vmem>>
      %dma_wait3A_122 = arith.constant 0 : i32
      %dma_wait3A_123 = tpu.memref_slice %arg8[%add3A_118, %dma_wait3A_122] : memref<128x128xi32, #tpu.memory_space<vmem>> -> memref<1x72xi32, #tpu.memory_space<vmem>>
      %dma_wait3A_124 = tpu.memref_squeeze %dma_wait3A_123 : memref<1x72xi32, #tpu.memory_space<vmem>> -> memref<72xi32, #tpu.memory_space<vmem>>
      %dma_wait3A_125 = arith.constant 0 : i32
      %dma_wait3A_126 = tpu.memref_slice %arg4[%dma_wait3A_125] : memref<1000000xf32, #tpu.memory_space<hbm>> -> memref<1000000xf32, #tpu.memory_space<hbm>>
      tpu.wait_indirect_dma semaphore(%arg11 : memref<!tpu.dma_semaphore, #tpu.memory_space<semaphore_mem>>) src(%dma_wait3A_126 : memref<1000000xf32, #tpu.memory_space<hbm>>) dst(%dma_wait3A_121 : memref<72xf32, #tpu.memory_space<vmem>>)
      %add3A_127 = arith.constant 4 : i32
      %add3A_128 = arith.addi %mul3A_40, %add3A_127 : i32
      %add3A_129 = arith.constant 96 : i32
      %add3A_130 = arith.addi %add3A_128, %add3A_129 : i32
      %dma_start3A_131 = arith.constant 0 : i32
      %dma_start3A_132 = tpu.memref_slice %arg10[%add3A_130, %dma_start3A_131] : memref<128x128xf32, #tpu.memory_space<vmem>> -> memref<1x72xf32, #tpu.memory_space<vmem>>
      %dma_start3A_133 = tpu.memref_squeeze %dma_start3A_132 : memref<1x72xf32, #tpu.memory_space<vmem>> -> memref<72xf32, #tpu.memory_space<vmem>>
      %dma_start3A_134 = arith.constant 0 : i32
      %dma_start3A_135 = tpu.memref_slice %arg8[%add3A_130, %dma_start3A_134] : memref<128x128xi32, #tpu.memory_space<vmem>> -> memref<1x72xi32, #tpu.memory_space<vmem>>
      %dma_start3A_136 = tpu.memref_squeeze %dma_start3A_135 : memref<1x72xi32, #tpu.memory_space<vmem>> -> memref<72xi32, #tpu.memory_space<vmem>>
      %dma_start3A_137 = arith.constant 0 : i32
      %dma_start3A_138 = tpu.memref_slice %arg4[%dma_start3A_137] : memref<1000000xf32, #tpu.memory_space<hbm>> -> memref<1000000xf32, #tpu.memory_space<hbm>>
      tpu.enqueue_indirect_dma source(%dma_start3A_138 : memref<1000000xf32, #tpu.memory_space<hbm>>) target(%dma_start3A_133 : memref<72xf32, #tpu.memory_space<vmem>>) offsets(%dma_start3A_136 : memref<72xi32, #tpu.memory_space<vmem>>) semaphore(%arg11 : memref<!tpu.dma_semaphore, #tpu.memory_space<semaphore_mem>>)
      %add3A_139 = arith.constant 4 : i32
      %add3A_140 = arith.addi %mul3A_40, %add3A_139 : i32
      %dma_wait3A_141 = arith.constant 0 : i32
      %dma_wait3A_142 = tpu.memref_slice %arg10[%add3A_140, %dma_wait3A_141] : memref<128x128xf32, #tpu.memory_space<vmem>> -> memref<1x72xf32, #tpu.memory_space<vmem>>
      %dma_wait3A_143 = tpu.memref_squeeze %dma_wait3A_142 : memref<1x72xf32, #tpu.memory_space<vmem>> -> memref<72xf32, #tpu.memory_space<vmem>>
      %dma_wait3A_144 = arith.constant 0 : i32
      %dma_wait3A_145 = tpu.memref_slice %arg8[%add3A_140, %dma_wait3A_144] : memref<128x128xi32, #tpu.memory_space<vmem>> -> memref<1x72xi32, #tpu.memory_space<vmem>>
      %dma_wait3A_146 = tpu.memref_squeeze %dma_wait3A_145 : memref<1x72xi32, #tpu.memory_space<vmem>> -> memref<72xi32, #tpu.memory_space<vmem>>
      %dma_wait3A_147 = arith.constant 0 : i32
      %dma_wait3A_148 = tpu.memref_slice %arg4[%dma_wait3A_147] : memref<1000000xf32, #tpu.memory_space<hbm>> -> memref<1000000xf32, #tpu.memory_space<hbm>>
      tpu.wait_indirect_dma semaphore(%arg11 : memref<!tpu.dma_semaphore, #tpu.memory_space<semaphore_mem>>) src(%dma_wait3A_148 : memref<1000000xf32, #tpu.memory_space<hbm>>) dst(%dma_wait3A_143 : memref<72xf32, #tpu.memory_space<vmem>>)
      %add3A_149 = arith.constant 5 : i32
      %add3A_150 = arith.addi %mul3A_40, %add3A_149 : i32
      %add3A_151 = arith.constant 96 : i32
      %add3A_152 = arith.addi %add3A_150, %add3A_151 : i32
      %dma_start3A_153 = arith.constant 0 : i32
      %dma_start3A_154 = tpu.memref_slice %arg10[%add3A_152, %dma_start3A_153] : memref<128x128xf32, #tpu.memory_space<vmem>> -> memref<1x72xf32, #tpu.memory_space<vmem>>
      %dma_start3A_155 = tpu.memref_squeeze %dma_start3A_154 : memref<1x72xf32, #tpu.memory_space<vmem>> -> memref<72xf32, #tpu.memory_space<vmem>>
      %dma_start3A_156 = arith.constant 0 : i32
      %dma_start3A_157 = tpu.memref_slice %arg8[%add3A_152, %dma_start3A_156] : memref<128x128xi32, #tpu.memory_space<vmem>> -> memref<1x72xi32, #tpu.memory_space<vmem>>
      %dma_start3A_158 = tpu.memref_squeeze %dma_start3A_157 : memref<1x72xi32, #tpu.memory_space<vmem>> -> memref<72xi32, #tpu.memory_space<vmem>>
      %dma_start3A_159 = arith.constant 0 : i32
      %dma_start3A_160 = tpu.memref_slice %arg4[%dma_start3A_159] : memref<1000000xf32, #tpu.memory_space<hbm>> -> memref<1000000xf32, #tpu.memory_space<hbm>>
      tpu.enqueue_indirect_dma source(%dma_start3A_160 : memref<1000000xf32, #tpu.memory_space<hbm>>) target(%dma_start3A_155 : memref<72xf32, #tpu.memory_space<vmem>>) offsets(%dma_start3A_158 : memref<72xi32, #tpu.memory_space<vmem>>) semaphore(%arg11 : memref<!tpu.dma_semaphore, #tpu.memory_space<semaphore_mem>>)
      %add3A_161 = arith.constant 5 : i32
      %add3A_162 = arith.addi %mul3A_40, %add3A_161 : i32
      %dma_wait3A_163 = arith.constant 0 : i32
      %dma_wait3A_164 = tpu.memref_slice %arg10[%add3A_162, %dma_wait3A_163] : memref<128x128xf32, #tpu.memory_space<vmem>> -> memref<1x72xf32, #tpu.memory_space<vmem>>
      %dma_wait3A_165 = tpu.memref_squeeze %dma_wait3A_164 : memref<1x72xf32, #tpu.memory_space<vmem>> -> memref<72xf32, #tpu.memory_space<vmem>>
      %dma_wait3A_166 = arith.constant 0 : i32
      %dma_wait3A_167 = tpu.memref_slice %arg8[%add3A_162, %dma_wait3A_166] : memref<128x128xi32, #tpu.memory_space<vmem>> -> memref<1x72xi32, #tpu.memory_space<vmem>>
      %dma_wait3A_168 = tpu.memref_squeeze %dma_wait3A_167 : memref<1x72xi32, #tpu.memory_space<vmem>> -> memref<72xi32, #tpu.memory_space<vmem>>
      %dma_wait3A_169 = arith.constant 0 : i32
      %dma_wait3A_170 = tpu.memref_slice %arg4[%dma_wait3A_169] : memref<1000000xf32, #tpu.memory_space<hbm>> -> memref<1000000xf32, #tpu.memory_space<hbm>>
      tpu.wait_indirect_dma semaphore(%arg11 : memref<!tpu.dma_semaphore, #tpu.memory_space<semaphore_mem>>) src(%dma_wait3A_170 : memref<1000000xf32, #tpu.memory_space<hbm>>) dst(%dma_wait3A_165 : memref<72xf32, #tpu.memory_space<vmem>>)
      %add3A_171 = arith.constant 6 : i32
      %add3A_172 = arith.addi %mul3A_40, %add3A_171 : i32
      %add3A_173 = arith.constant 96 : i32
      %add3A_174 = arith.addi %add3A_172, %add3A_173 : i32
      %dma_start3A_175 = arith.constant 0 : i32
      %dma_start3A_176 = tpu.memref_slice %arg10[%add3A_174, %dma_start3A_175] : memref<128x128xf32, #tpu.memory_space<vmem>> -> memref<1x72xf32, #tpu.memory_space<vmem>>
      %dma_start3A_177 = tpu.memref_squeeze %dma_start3A_176 : memref<1x72xf32, #tpu.memory_space<vmem>> -> memref<72xf32, #tpu.memory_space<vmem>>
      %dma_start3A_178 = arith.constant 0 : i32
      %dma_start3A_179 = tpu.memref_slice %arg8[%add3A_174, %dma_start3A_178] : memref<128x128xi32, #tpu.memory_space<vmem>> -> memref<1x72xi32, #tpu.memory_space<vmem>>
      %dma_start3A_180 = tpu.memref_squeeze %dma_start3A_179 : memref<1x72xi32, #tpu.memory_space<vmem>> -> memref<72xi32, #tpu.memory_space<vmem>>
      %dma_start3A_181 = arith.constant 0 : i32
      %dma_start3A_182 = tpu.memref_slice %arg4[%dma_start3A_181] : memref<1000000xf32, #tpu.memory_space<hbm>> -> memref<1000000xf32, #tpu.memory_space<hbm>>
      tpu.enqueue_indirect_dma source(%dma_start3A_182 : memref<1000000xf32, #tpu.memory_space<hbm>>) target(%dma_start3A_177 : memref<72xf32, #tpu.memory_space<vmem>>) offsets(%dma_start3A_180 : memref<72xi32, #tpu.memory_space<vmem>>) semaphore(%arg11 : memref<!tpu.dma_semaphore, #tpu.memory_space<semaphore_mem>>)
      %add3A_183 = arith.constant 6 : i32
      %add3A_184 = arith.addi %mul3A_40, %add3A_183 : i32
      %dma_wait3A_185 = arith.constant 0 : i32
      %dma_wait3A_186 = tpu.memref_slice %arg10[%add3A_184, %dma_wait3A_185] : memref<128x128xf32, #tpu.memory_space<vmem>> -> memref<1x72xf32, #tpu.memory_space<vmem>>
      %dma_wait3A_187 = tpu.memref_squeeze %dma_wait3A_186 : memref<1x72xf32, #tpu.memory_space<vmem>> -> memref<72xf32, #tpu.memory_space<vmem>>
      %dma_wait3A_188 = arith.constant 0 : i32
      %dma_wait3A_189 = tpu.memref_slice %arg8[%add3A_184, %dma_wait3A_188] : memref<128x128xi32, #tpu.memory_space<vmem>> -> memref<1x72xi32, #tpu.memory_space<vmem>>
      %dma_wait3A_190 = tpu.memref_squeeze %dma_wait3A_189 : memref<1x72xi32, #tpu.memory_space<vmem>> -> memref<72xi32, #tpu.memory_space<vmem>>
      %dma_wait3A_191 = arith.constant 0 : i32
      %dma_wait3A_192 = tpu.memref_slice %arg4[%dma_wait3A_191] : memref<1000000xf32, #tpu.memory_space<hbm>> -> memref<1000000xf32, #tpu.memory_space<hbm>>
      tpu.wait_indirect_dma semaphore(%arg11 : memref<!tpu.dma_semaphore, #tpu.memory_space<semaphore_mem>>) src(%dma_wait3A_192 : memref<1000000xf32, #tpu.memory_space<hbm>>) dst(%dma_wait3A_187 : memref<72xf32, #tpu.memory_space<vmem>>)
      %add3A_193 = arith.constant 7 : i32
      %add3A_194 = arith.addi %mul3A_40, %add3A_193 : i32
      %add3A_195 = arith.constant 96 : i32
      %add3A_196 = arith.addi %add3A_194, %add3A_195 : i32
      %dma_start3A_197 = arith.constant 0 : i32
      %dma_start3A_198 = tpu.memref_slice %arg10[%add3A_196, %dma_start3A_197] : memref<128x128xf32, #tpu.memory_space<vmem>> -> memref<1x72xf32, #tpu.memory_space<vmem>>
      %dma_start3A_199 = tpu.memref_squeeze %dma_start3A_198 : memref<1x72xf32, #tpu.memory_space<vmem>> -> memref<72xf32, #tpu.memory_space<vmem>>
      %dma_start3A_200 = arith.constant 0 : i32
      %dma_start3A_201 = tpu.memref_slice %arg8[%add3A_196, %dma_start3A_200] : memref<128x128xi32, #tpu.memory_space<vmem>> -> memref<1x72xi32, #tpu.memory_space<vmem>>
      %dma_start3A_202 = tpu.memref_squeeze %dma_start3A_201 : memref<1x72xi32, #tpu.memory_space<vmem>> -> memref<72xi32, #tpu.memory_space<vmem>>
      %dma_start3A_203 = arith.constant 0 : i32
      %dma_start3A_204 = tpu.memref_slice %arg4[%dma_start3A_203] : memref<1000000xf32, #tpu.memory_space<hbm>> -> memref<1000000xf32, #tpu.memory_space<hbm>>
      tpu.enqueue_indirect_dma source(%dma_start3A_204 : memref<1000000xf32, #tpu.memory_space<hbm>>) target(%dma_start3A_199 : memref<72xf32, #tpu.memory_space<vmem>>) offsets(%dma_start3A_202 : memref<72xi32, #tpu.memory_space<vmem>>) semaphore(%arg11 : memref<!tpu.dma_semaphore, #tpu.memory_space<semaphore_mem>>)
      %add3A_205 = arith.constant 7 : i32
      %add3A_206 = arith.addi %mul3A_40, %add3A_205 : i32
      %dma_wait3A_207 = arith.constant 0 : i32
      %dma_wait3A_208 = tpu.memref_slice %arg10[%add3A_206, %dma_wait3A_207] : memref<128x128xf32, #tpu.memory_space<vmem>> -> memref<1x72xf32, #tpu.memory_space<vmem>>
      %dma_wait3A_209 = tpu.memref_squeeze %dma_wait3A_208 : memref<1x72xf32, #tpu.memory_space<vmem>> -> memref<72xf32, #tpu.memory_space<vmem>>
      %dma_wait3A_210 = arith.constant 0 : i32
      %dma_wait3A_211 = tpu.memref_slice %arg8[%add3A_206, %dma_wait3A_210] : memref<128x128xi32, #tpu.memory_space<vmem>> -> memref<1x72xi32, #tpu.memory_space<vmem>>
      %dma_wait3A_212 = tpu.memref_squeeze %dma_wait3A_211 : memref<1x72xi32, #tpu.memory_space<vmem>> -> memref<72xi32, #tpu.memory_space<vmem>>
      %dma_wait3A_213 = arith.constant 0 : i32
      %dma_wait3A_214 = tpu.memref_slice %arg4[%dma_wait3A_213] : memref<1000000xf32, #tpu.memory_space<hbm>> -> memref<1000000xf32, #tpu.memory_space<hbm>>
      tpu.wait_indirect_dma semaphore(%arg11 : memref<!tpu.dma_semaphore, #tpu.memory_space<semaphore_mem>>) src(%dma_wait3A_214 : memref<1000000xf32, #tpu.memory_space<hbm>>) dst(%dma_wait3A_209 : memref<72xf32, #tpu.memory_space<vmem>>)
    }
    %scan3A_31 = arith.constant 4 : i32
    %scan3A_32 = arith.constant 0 : i32
    %scan3A_33 = arith.constant 32 : i32
    %scan3A_34 = arith.constant 96 : i32
    %scan3A_35 = arith.addi %scan3A_33, %scan3A_34 : i32
    %scan3A_36 = arith.constant 1 : i32
    scf.for %scan3A_38 = %scan3A_33 to %scan3A_35 step %scan3A_36  : i32 {
      %dma_wait3A = arith.constant 0 : i32
      %dma_wait3A_39 = tpu.memref_slice %arg10[%scan3A_38, %dma_wait3A] : memref<128x128xf32, #tpu.memory_space<vmem>> -> memref<1x72xf32, #tpu.memory_space<vmem>>
      %dma_wait3A_40 = tpu.memref_squeeze %dma_wait3A_39 : memref<1x72xf32, #tpu.memory_space<vmem>> -> memref<72xf32, #tpu.memory_space<vmem>>
      %dma_wait3A_41 = arith.constant 0 : i32
      %dma_wait3A_42 = tpu.memref_slice %arg8[%scan3A_38, %dma_wait3A_41] : memref<128x128xi32, #tpu.memory_space<vmem>> -> memref<1x72xi32, #tpu.memory_space<vmem>>
      %dma_wait3A_43 = tpu.memref_squeeze %dma_wait3A_42 : memref<1x72xi32, #tpu.memory_space<vmem>> -> memref<72xi32, #tpu.memory_space<vmem>>
      %dma_wait3A_44 = arith.constant 0 : i32
      %dma_wait3A_45 = tpu.memref_slice %arg4[%dma_wait3A_44] : memref<1000000xf32, #tpu.memory_space<hbm>> -> memref<1000000xf32, #tpu.memory_space<hbm>>
      tpu.wait_indirect_dma semaphore(%arg11 : memref<!tpu.dma_semaphore, #tpu.memory_space<semaphore_mem>>) src(%dma_wait3A_45 : memref<1000000xf32, #tpu.memory_space<hbm>>) dst(%dma_wait3A_40 : memref<72xf32, #tpu.memory_space<vmem>>)
    }
    %scan3A_37 = arith.constant 96 : i32
    "tpu.region"() ({
      %run_scoped3A = tpu.sem_alloc : memref<!tpu.dma_semaphore, #tpu.memory_space<semaphore_mem>>
      %dma_start3A = arith.constant 0 : i32
      %dma_start3A_38 = tpu.memref_slice %arg5[%mul3A_2, %dma_start3A] : memref<4096x128xf32, #tpu.memory_space<hbm>> -> memref<128x128xf32, #tpu.memory_space<hbm>>
      %dma_start3A_39 = arith.constant 0 : i32
      %dma_start3A_40 = tpu.memref_slice %arg5[%mul3A_2, %dma_start3A_39] : memref<4096x128xf32, #tpu.memory_space<hbm>> -> memref<128x128xf32, #tpu.memory_space<hbm>>
      tpu.enqueue_dma source(%arg9 : memref<128x128xf32, #tpu.memory_space<vmem>>) target(%dma_start3A_40 : memref<128x128xf32, #tpu.memory_space<hbm>>) target_semaphore(%run_scoped3A : memref<!tpu.dma_semaphore, #tpu.memory_space<semaphore_mem>>)
      %dma_wait3A = arith.constant 0 : i32
      %dma_wait3A_41 = tpu.memref_slice %arg5[%mul3A_2, %dma_wait3A] : memref<4096x128xf32, #tpu.memory_space<hbm>> -> memref<128x128xf32, #tpu.memory_space<hbm>>
      %dma_wait3A_42 = arith.constant 0 : i32
      %dma_wait3A_43 = tpu.memref_slice %arg5[%mul3A_2, %dma_wait3A_42] : memref<4096x128xf32, #tpu.memory_space<hbm>> -> memref<128x128xf32, #tpu.memory_space<hbm>>
      tpu.wait_dma2 semaphore(%run_scoped3A : memref<!tpu.dma_semaphore, #tpu.memory_space<semaphore_mem>>) src(%arg9 : memref<128x128xf32, #tpu.memory_space<vmem>>) dst(%dma_wait3A_43 : memref<128x128xf32, #tpu.memory_space<hbm>>)
      tpu.yield
    }) : () -> ()
    "tpu.region"() ({
      %run_scoped3A = tpu.sem_alloc : memref<!tpu.dma_semaphore, #tpu.memory_space<semaphore_mem>>
      %dma_start3A = arith.constant 0 : i32
      %dma_start3A_38 = tpu.memref_slice %arg6[%mul3A_2, %dma_start3A] : memref<4096x128xf32, #tpu.memory_space<hbm>> -> memref<128x128xf32, #tpu.memory_space<hbm>>
      %dma_start3A_39 = arith.constant 0 : i32
      %dma_start3A_40 = tpu.memref_slice %arg6[%mul3A_2, %dma_start3A_39] : memref<4096x128xf32, #tpu.memory_space<hbm>> -> memref<128x128xf32, #tpu.memory_space<hbm>>
      tpu.enqueue_dma source(%arg10 : memref<128x128xf32, #tpu.memory_space<vmem>>) target(%dma_start3A_40 : memref<128x128xf32, #tpu.memory_space<hbm>>) target_semaphore(%run_scoped3A : memref<!tpu.dma_semaphore, #tpu.memory_space<semaphore_mem>>)
      %dma_wait3A = arith.constant 0 : i32
      %dma_wait3A_41 = tpu.memref_slice %arg6[%mul3A_2, %dma_wait3A] : memref<4096x128xf32, #tpu.memory_space<hbm>> -> memref<128x128xf32, #tpu.memory_space<hbm>>
      %dma_wait3A_42 = arith.constant 0 : i32
      %dma_wait3A_43 = tpu.memref_slice %arg6[%mul3A_2, %dma_wait3A_42] : memref<4096x128xf32, #tpu.memory_space<hbm>> -> memref<128x128xf32, #tpu.memory_space<hbm>>
      tpu.wait_dma2 semaphore(%run_scoped3A : memref<!tpu.dma_semaphore, #tpu.memory_space<semaphore_mem>>) src(%arg10 : memref<128x128xf32, #tpu.memory_space<vmem>>) dst(%dma_wait3A_43 : memref<128x128xf32, #tpu.memory_space<hbm>>)
      tpu.yield
    }) : () -> ()
    return
  }
}

module attributes {stable_mosaic.version = 14 : i64} {
  func.func @body(%arg0: i32, %arg1: memref<512x200xi32, #tpu.memory_space<vmem>>, %arg2: memref<512x128xi32, #tpu.memory_space<vmem>>, %arg3: memref<512x128xi32, #tpu.memory_space<vmem>>) attributes {dimension_semantics = [#tpu.dimension_semantics<arbitrary>], iteration_bounds = array<i64: 8>, scalar_prefetch = 0 : i64, scratch_operands = 0 : i64, tpu.core_type = #tpu.core_type<tc>, window_params = [{transform_indices = @transform_0, window_bounds = array<i64: 512, 200>}, {transform_indices = @transform_1, window_bounds = array<i64: 512, 128>}, {transform_indices = @transform_2, window_bounds = array<i64: 512, 128>}]} {
    %get3A = arith.constant 0 : index
    %get3A_0 = arith.constant 0 : index
    %get3A_1 = vector.load %arg1[%get3A, %get3A_0] : memref<512x200xi32, #tpu.memory_space<vmem>>, vector<512x200xi32>
    %slice3A = vector.extract_strided_slice %get3A_1 {offsets = [0, 0], sizes = [512, 128], strides = [1, 1]} : vector<512x200xi32> to vector<512x128xi32>
    %swap3A = arith.constant 0 : index
    %swap3A_2 = arith.constant 0 : index
    %swap3A_3 = vector.load %arg2[%swap3A, %swap3A_2] : memref<512x128xi32, #tpu.memory_space<vmem>>, vector<512x128xi32>
    tpu.vector_store %arg2[%swap3A, %swap3A_2], %slice3A {strides = array<i32>} : memref<512x128xi32, #tpu.memory_space<vmem>>, vector<512x128xi32>,
    %slice3A_4 = vector.extract_strided_slice %get3A_1 {offsets = [0, 128], sizes = [512, 72], strides = [1, 1]} : vector<512x200xi32> to vector<512x72xi32>
    %broadcast_in_dim3A = arith.constant 0 : i32
    %broadcast_in_dim3A_5 = vector.broadcast %broadcast_in_dim3A : i32 to vector<512x56xi32>
    %concatenate3A = tpu.concatenate %slice3A_4, %broadcast_in_dim3A_5 in 1 : vector<512x72xi32>, vector<512x56xi32> -> vector<512x128xi32>
    %swap3A_6 = arith.constant 0 : index
    %swap3A_7 = arith.constant 0 : index
    %swap3A_8 = vector.load %arg3[%swap3A_6, %swap3A_7] : memref<512x128xi32, #tpu.memory_space<vmem>>, vector<512x128xi32>
    tpu.vector_store %arg3[%swap3A_6, %swap3A_7], %concatenate3A {strides = array<i32>} : memref<512x128xi32, #tpu.memory_space<vmem>>, vector<512x128xi32>,
    return
  }
  func.func @transform_0(%arg0: i32) -> (i32, i32) {
    %c0_i32 = arith.constant 0 : i32
    %c0_i32_0 = arith.constant 0 : i32
    return %arg0, %c0_i32 : i32, i32
  }
  func.func @transform_1(%arg0: i32) -> (i32, i32) {
    %c0_i32 = arith.constant 0 : i32
    %c0_i32_0 = arith.constant 0 : i32
    return %arg0, %c0_i32 : i32, i32
  }
  func.func @transform_2(%arg0: i32) -> (i32, i32) {
    %c0_i32 = arith.constant 0 : i32
    %c0_i32_0 = arith.constant 0 : i32
    return %arg0, %c0_i32 : i32, i32
  }
}

module attributes {stable_mosaic.version = 14 : i64} {
  func.func @body(%arg0: i32, %arg1: memref<32x65536xf32, #tpu.memory_space<vmem>>, %arg2: memref<65536xf32, #tpu.memory_space<vmem>>) attributes {dimension_semantics = [#tpu.dimension_semantics<arbitrary>], iteration_bounds = array<i64: 16>, scalar_prefetch = 0 : i64, scratch_operands = 0 : i64, tpu.core_type = #tpu.core_type<tc>, window_params = [{transform_indices = @transform_0, window_bounds = array<i64: 32, 65536>}, {transform_indices = @transform_1, window_bounds = array<i64: 65536>}]} {
    %get3A = arith.constant 0 : index
    %get3A_0 = arith.constant 0 : index
    %get3A_1 = vector.load %arg1[%get3A, %get3A_0] : memref<32x65536xf32, #tpu.memory_space<vmem>>, vector<32x65536xf32>
    %reduce_sum3A = arith.constant dense<0.000000e+00> : vector<65536xf32>
    %reduce_sum3A_2 = vector.multi_reduction <add>, %get3A_1, %reduce_sum3A [0] : vector<32x65536xf32> to vector<65536xf32>
    %swap3A = arith.constant 0 : index
    %swap3A_3 = vector.load %arg2[%swap3A] : memref<65536xf32, #tpu.memory_space<vmem>>, vector<65536xf32>
    tpu.vector_store %arg2[%swap3A], %reduce_sum3A_2 {strides = array<i32>} : memref<65536xf32, #tpu.memory_space<vmem>>, vector<65536xf32>,
    return
  }
  func.func @transform_0(%arg0: i32) -> (i32, i32) {
    %c0_i32 = arith.constant 0 : i32
    %c0_i32_0 = arith.constant 0 : i32
    return %c0_i32, %arg0 : i32, i32
  }
  func.func @transform_1(%arg0: i32) -> i32 {
    %c0_i32 = arith.constant 0 : i32
    return %arg0 : i32
  }
}

module attributes {stable_mosaic.version = 14 : i64} {
  func.func @body(%arg0: i32, %arg1: memref<512x128xf32, #tpu.memory_space<vmem>>, %arg2: memref<512x128xf32, #tpu.memory_space<vmem>>, %arg3: memref<512x200xf32, #tpu.memory_space<vmem>>, %arg4: memref<512x200xf32, #tpu.memory_space<vmem>>) attributes {dimension_semantics = [#tpu.dimension_semantics<arbitrary>], iteration_bounds = array<i64: 8>, scalar_prefetch = 0 : i64, scratch_operands = 0 : i64, tpu.core_type = #tpu.core_type<tc>, window_params = [{transform_indices = @transform_0, window_bounds = array<i64: 512, 128>}, {transform_indices = @transform_1, window_bounds = array<i64: 512, 128>}, {transform_indices = @transform_2, window_bounds = array<i64: 512, 200>}, {transform_indices = @transform_3, window_bounds = array<i64: 512, 200>}]} {
    %get3A = arith.constant 0 : index
    %get3A_0 = arith.constant 0 : index
    %get3A_1 = vector.load %arg1[%get3A, %get3A_0] : memref<512x128xf32, #tpu.memory_space<vmem>>, vector<512x128xf32>
    %get3A_2 = arith.constant 0 : index
    %get3A_3 = arith.constant 0 : index
    %get3A_4 = vector.load %arg2[%get3A_2, %get3A_3] : memref<512x128xf32, #tpu.memory_space<vmem>>, vector<512x72xf32>
    %concatenate3A = tpu.concatenate %get3A_1, %get3A_4 in 1 : vector<512x128xf32>, vector<512x72xf32> -> vector<512x200xf32>
    %get3A_5 = arith.constant 0 : index
    %get3A_6 = arith.constant 0 : index
    %get3A_7 = vector.load %arg3[%get3A_5, %get3A_6] : memref<512x200xf32, #tpu.memory_space<vmem>>, vector<512x200xf32>
    %mul3A = arith.mulf %concatenate3A, %get3A_7 : vector<512x200xf32>
    %swap3A = arith.constant 0 : index
    %swap3A_8 = arith.constant 0 : index
    %swap3A_9 = vector.load %arg4[%swap3A, %swap3A_8] : memref<512x200xf32, #tpu.memory_space<vmem>>, vector<512x200xf32>
    tpu.vector_store %arg4[%swap3A, %swap3A_8], %mul3A {strides = array<i32>} : memref<512x200xf32, #tpu.memory_space<vmem>>, vector<512x200xf32>,
    return
  }
  func.func @transform_0(%arg0: i32) -> (i32, i32) {
    %c0_i32 = arith.constant 0 : i32
    %c0_i32_0 = arith.constant 0 : i32
    return %arg0, %c0_i32 : i32, i32
  }
  func.func @transform_1(%arg0: i32) -> (i32, i32) {
    %c0_i32 = arith.constant 0 : i32
    %c0_i32_0 = arith.constant 0 : i32
    return %arg0, %c0_i32 : i32, i32
  }
  func.func @transform_2(%arg0: i32) -> (i32, i32) {
    %c0_i32 = arith.constant 0 : i32
    %c0_i32_0 = arith.constant 0 : i32
    return %arg0, %c0_i32 : i32, i32
  }
  func.func @transform_3(%arg0: i32) -> (i32, i32) {
    %c0_i32 = arith.constant 0 : i32
    %c0_i32_0 = arith.constant 0 : i32
    return %arg0, %c0_i32 : i32, i32
  }
}

</mosaic_0001>

<sc_bundles>
// kernel: kernel.6.cloned.1.call-start
scs
__scs_entry_jumppad:
0x0: {  	(pc) =	sbr.rel $0x88, $3  }
0x1: {  	(tag) =	ssettag $0x0;
	lr =	simm.s32 $0x1  }
0x2: {  	[smem:$0x3F9E] =	sst lr;
	_ =	strace $0xD0000000  }
0x3: {  	_ = 	snop  }
0x4: {  	_ = 	snop  }
0x5: {  	_ = 	snop  }
0x6: {  	_ = 	snop  }
0x7: {  	_ = 	snop  }
__scs_overlays_trampoline_lowered:
0x8: {  	[smem:$0x3FAD] =	sst s0  }
0x9: {  	[smem:$0x3FAE] =	sst s1  }
0xa: {  	[smem:$0x3FAF] =	sst s2  }
0xb: {  	[smem:$0x3FB0] =	sst s3  }
0xc: {  	[smem:$0x3FB1] =	sst s4  }
0xd: {  	[smem:$0x3FB2] =	sst s5  }
0xe: {  	[smem:$0x3FB3] =	sst s6  }
0xf: {  	[smem:$0x3FB4] =	sst s7  }
0x10: {  	[smem:$0x3FB5] =	sst s8  }
0x11: {  	[smem:$0x3FB6] =	sst s9;
	s0 =	simm.s32 @!p0 $0x0  }
0x12: {  	s1 =	sld [smem:$0x3F9C];
	s0 =	simm.s32 @p0 $0x1  }
0x13: {  	[smem:$0x3FB7] =	sst s0;
	s0 =	simm.s32 @!p1 $0x0  }
0x14: {  	s2 =	sld [smem:$0x3F9B];
	s0 =	simm.s32 @p1 $0x1  }
0x15: {  	[smem:$0x3FB8] =	sst s0;
	s0 =	simm.s32 @!p2 $0x0  }
0x16: {  	s3 =	sld [smem:$0x3FDB];
	s0 =	simm.s32 @p2 $0x1  }
0x17: {  	s4 =	simm.s32 $0x1BF5;
	[smem:$0x3FBA] =	sst s0  }
0x18: {  	s0 =	sld [smem:$0x3F9D];
	_ =	swait.ge [sflag:s4], $0x0  }
0x19: {  	s7 =	sld [smem:$0x3F9E]  }
0x1a: {  	s8 =	sadd.s32 $0xFFFFE003, lr  }
0x1b: {  	s9 =	sadd.s32 $0xFFFFFEF7, lr;
	s5 =	simm.s32 $0xFFFFFFFF;
	p2 =	slt.u32 s8, $0xFFFFF086  }
0x1c: {  	p1 =	slt.u32 s9, $0xF7A;
	s5 =	simm.s32 @!p2 $0x0  }
0x1d: {  	s5 =	simm.s32 @p1 $0x1;
	p0 =	seq.s32 s7, s2  }
0x1e: {  	s7 =	smul.u32 @!p0 $0xF7A, s2;
	p2 =	seq.s32 @!p0 s5, $0x0  }
0x1f: {  	s9 =	smul.u32 $0xF7A, s1;
	s8 =	simm.s32 @!p0 $0x1BF5;
	p2 =	por !p2, p0  }
0x20: {  	[sflag:s8] =	ssyncset.s32 @!p0 $0xFFFFF086;
	s6 =	sadd.s32 @!p0 s3, s7;
	s7 =	simm.s32 @!p0 $0x108  }
0x21: {  	s3 =	sadd.s32 s3, s9;
	s6 =	sadd.s32 @!p0 $0x88, s6;
	s7 =	simm.s32 @p2 $0x1082  }
0x22: {  	[simem:s7], [sflag:s8] =	dma.local @!p0 [hbm:s6], $0xF7A  }
0x23: {  	s9 =	sor.u32 $0xD0000000, s2;
	s6 =	simm.s32 $0x108;
	_ =	swait.ge @!p0 [sflag:s8], $0x0  }
0x24: {  	s3 =	sadd.s32 $0x88, s3;
	s6 =	simm.s32 @!p1 $0x1082;
	[sflag:s4] =	ssyncset.s32 $0xFFFFF086  }
0x25: {  	[simem:s6], [sflag:s4] =	dma.local [hbm:s3], $0xF7A  }
0x26: {  	[smem:$0x3F9E] =	sst s1;
	(tag) =	ssettag s2;
	_ =	strace s9  }
0x27: {  	s1 =	sld [smem:$0x3FAE]  }
0x28: {  	s2 =	sld [smem:$0x3FAF]  }
0x29: {  	s4 =	sld [smem:$0x3FB1]  }
0x2a: {  	p0 =	seq.s32 s5, $0x0;
	s5 =	sld [smem:$0x3FB2]  }
0x2b: {  	s6 =	sld [smem:$0x3FB3]  }
0x2c: {  	s7 =	sld [smem:$0x3FB4]  }
0x2d: {  	s3 =	simm.s32 $0x108;
	s8 =	sld [smem:$0x3FB5]  }
0x2e: {  	s3 =	simm.s32 @!p0 $0x1082;
	s9 =	sld [smem:$0x3FB6]  }
0x2f: {  	lr =	sadd.s32 s0, s3;
	s0 =	sld [smem:$0x3FAD]  }
0x30: {  	s3 =	sld [smem:$0x3FB0]  }
0x31: {  	[smem:$0x3FB9] =	sst s10  }
0x32: {  	s10 =	sld [smem:$0x3FB7];
	_ =	sdelay $0x3  }
0x33: {  	p0 =	seq.s32 s10, $0x1;
	s10 =	sld [smem:$0x3FB9];
	_ =	sdelay $0x3  }
0x34: {  	[smem:$0x3FB9] =	sst s10  }
0x35: {  	s10 =	sld [smem:$0x3FB8];
	_ =	sdelay $0x3  }
0x36: {  	p1 =	seq.s32 s10, $0x1;
	s10 =	sld [smem:$0x3FB9];
	_ =	sdelay $0x3  }
0x37: {  	[smem:$0x3FB9] =	sst s10  }
0x38: {  	s10 =	sld [smem:$0x3FBA]  }
0x39: {  	_ = 	snop;
	(pc) =	sbr.ind lr, $3  }
0x3a: {  	_ = 	snop  }
0x3b: {  	_ = 	snop  }
0x3c: {  	p2 =	seq.s32 s10, $0x1;
	s10 =	sld [smem:$0x3FB9]  }
0x3d: {  	_ =	shalt  }
0x3e: {  	_ =	shalt  }
0x3f: {  	_ =	shalt  }
0x40: {  	_ =	shalt  }
0x41: {  	_ =	shalt  }
0x42: {  	_ =	shalt  }
0x43: {  	_ =	shalt  }
0x44: {  	_ =	shalt  }
0x45: {  	_ =	shalt  }
0x46: {  	_ =	shalt  }
0x47: {  	_ =	shalt  }
0x48: {  	_ =	shalt  }
0x49: {  	_ =	shalt  }
0x4a: {  	_ =	shalt  }
0x4b: {  	_ =	shalt  }
0x4c: {  	_ =	shalt  }
0x4d: {  	_ =	shalt  }
0x4e: {  	_ =	shalt  }
0x4f: {  	_ =	shalt  }
0x50: {  	_ =	shalt  }
0x51: {  	_ =	shalt  }
0x52: {  	_ =	shalt  }
0x53: {  	_ =	shalt  }
0x54: {  	_ =	shalt  }
0x55: {  	_ =	shalt  }
0x56: {  	_ =	shalt  }
0x57: {  	_ =	shalt  }
0x58: {  	_ =	shalt  }
0x59: {  	_ =	shalt  }
0x5a: {  	_ =	shalt  }
0x5b: {  	_ =	shalt  }
0x5c: {  	_ =	shalt  }
0x5d: {  	_ =	shalt  }
0x5e: {  	_ =	shalt  }
0x5f: {  	_ =	shalt  }
0x60: {  	_ =	shalt  }
0x61: {  	_ =	shalt  }
0x62: {  	_ =	shalt  }
0x63: {  	_ =	shalt  }
0x64: {  	_ =	shalt  }
0x65: {  	_ =	shalt  }
0x66: {  	_ =	shalt  }
0x67: {  	_ =	shalt  }
0x68: {  	_ =	shalt  }
0x69: {  	_ =	shalt  }
0x6a: {  	_ =	shalt  }
0x6b: {  	_ =	shalt  }
0x6c: {  	_ =	shalt  }
0x6d: {  	_ =	shalt  }
0x6e: {  	_ =	shalt  }
0x6f: {  	_ =	shalt  }
0x70: {  	_ =	shalt  }
0x71: {  	_ =	shalt  }
0x72: {  	_ =	shalt  }
0x73: {  	_ =	shalt  }
0x74: {  	_ =	shalt  }
0x75: {  	_ =	shalt  }
0x76: {  	_ =	shalt  }
0x77: {  	_ =	shalt  }
0x78: {  	_ =	shalt  }
0x79: {  	_ =	shalt  }
0x7a: {  	_ =	shalt  }
0x7b: {  	_ =	shalt  }
0x7c: {  	_ =	shalt  }
0x7d: {  	_ =	shalt  }
0x7e: {  	_ =	shalt  }
0x7f: {  	_ =	shalt  }
0x80: {  	_ =	shalt  }
0x81: {  	_ =	shalt  }
0x82: {  	_ =	shalt  }
0x83: {  	_ =	shalt  }
0x84: {  	_ =	shalt  }
0x85: {  	_ =	shalt  }
0x86: {  	_ =	shalt  }
0x87: {  	_ =	shalt  }
.Lfunc_end0:
.L_simem_size_0:
called_computation_lowered:
.L_overlay_start_0:
0x88: {  	s2 =	sld [smem:$0x3FD9]  }
0x89: {  	s3 =	sld [smem:$0x3FFE];
	_ =	sdelay $0x1  }
0x8a: {  	s1 =	srdreg.scid  }
0x8b: {  	s0 =	sand.u32 $0x1, s1  }
0x8c: {  	s17 =	sshll.u32 s0, $0xA;
	s2 =	sadd.s32 s3, s2  }
0x8d: {  	s2 =	sadd.s32 s2, s17  }
0x8e: {  	[smem:$0x3FC5] =	sst s2  }
0x8f: {  	_ = 	snop  }
0x90: {  	s2 =	sld [smem:$0x3FD0];
	(tm) =	ssettm $0x1  }
0x91: {  	s18 =	sld [smem:$0x3FFB];
	_ =	sdelay $0x3  }
0x92: {  	_ =	strace s18  }
0x93: {  	s3 =	sld [smem:$0x3FFC];
	_ =	sdelay $0x3  }
0x94: {  	_ =	strace s3  }
0x95: {  	s3 =	sld [smem:$0x3FFD];
	_ =	sdelay $0x3  }
0x96: {  	_ =	strace s3  }
0x97: {  	_ =	strace $0x8FFFFFFF  }
0x98: {  	s19 =	sld [smem:$0x3FDB];
	_ =	sdelay $0x1  }
0x99: {  	s4 =	simm.s32 $_scs_section_size  }
0x9a: {  	s5 =	simm.s32 $_size__tile_overlayer_lowered;
	s6 =	simm.s32 $_tile_overlayer_lowered  }
0x9b: {  	s22 =	simm.s32 $0x1BFF;
	s21 =	sshll.u32 s6, $0x1;
	s3 =	sadd.s32 s4, s19  }
0x9c: {  	s7 =	simm.s32 $0x0;
	s20 =	sshll.u32 s5, $0x1;
	s5 =	sadd.s32 s21, s3  }
0x9d: {  	[timem:s7], [sflag:s22] =	dma.local [hbm:s5], s20  }
0x9e: {  	_ =	swait.ge [sflag:s22], s20  }
0x9f: {  	s4 =	ssub.s32 $0x0, s20;
	[sflag:s22] =	ssyncset.done $0x0  }
0xa0: {  	[sflag:s22] =	ssyncadd.s32 s4;
	_ =	sdelay $0x1  }
0xa1: {  	s23 =	simm.s32 $0x1B8B  }
0xa2: {  	_ =	swait.ge [sflag:s23], $0x1  }
0xa3: {  	[sflag:s23] =	ssyncset.done $0x0  }
0xa4: {  	s25 =	simm.s32 $0x1B8E;
	s24 =	sld [smem:$0x3FFE];
	[sflag:s23] =	ssyncadd.s32 $0xFFFFFFFF  }
0xa5: {  	s26 =	simm.s32 $execute0_lowered;
	[smem:$0x3FD2] =	sst s25  }
0xa6: {  	s5 =	sshll.u32 s26, $0x1;
	_ =	strace $0x80000046;
	[dreg:$0x1] =	wrdreg $0xFFFFFFFF  }
0xa7: {  	s28 =	simm.s32 $_size_execute0_lowered;
	s3 =	sadd.s32 s3, s5;
	[dreg:$0x0] =	wrdreg $0x0  }
0xa8: {  	s5 =	sshll.u32 s28, $0x1;
	[dreg:$0x2] =	wrdreg s3  }
0xa9: {  	[dreg:$0x3] =	wrdreg s5  }
0xaa: {  	[dreg:$0x4] =	wrdreg $0xC0  }
0xab: {  	_ =	task [dreg:s7], $0x5FFFF  }
0xac: {  	[dreg:$0x1] =	wrdreg $0xFFFFFFFF  }
0xad: {  	[dreg:$0x0] =	wrdreg $0x60  }
0xae: {  	[dreg:$0x2] =	wrdreg s2  }
0xaf: {  	[dreg:$0x3] =	wrdreg s24  }
0xb0: {  	[dreg:$0x4] =	wrdreg $0x9  }
0xb1: {  	_ =	task.clear_ibuf [dreg:s7], $0x5FFFF;
	_ =	strace $0x90000046  }
0xb2: {  	s29 =	simm.s32 $0x9;
	_ =	strace $0x80000048  }
0xb3: {  	_ =	swait.ge [sflag:s29], $0x1  }
0xb4: {  	[sflag:s29] =	ssyncadd.s32 $0xFFFFFFFF  }
0xb5: {  	_ =	strace $0x90000048  }
0xb6: {  	_ =	sfence  }
0xb7: {  	s30 =	sld [smem:$0x0];
	_ =	sdelay $0x2  }
0xb8: {  	s31 =	sshll.u32 s1, $0xD;
	s1 =	sshrl.u32 s1, $0x2  }
0xb9: {  	s3 =	sand.u32 $0x4000, s31;
	s1 =	sadd.s32 s1, s30  }
0xba: {  	s0 =	sor.u32 s3, s0;
	s1 =	sshll.u32 s1, $0x11  }
0xbb: {  	s0 =	sor.u32 s1, s0  }
0xbc: {  	s0 =	sadd.s32 $0x8F2B, s0  }
0xbd: {  	[sflag:s0] =	ssyncadd.remote.s32 $0x1  }
0xbe: {  	_ =	sfence.sel $0xFFFF  }
0xbf: {  	[dreg:$0x0] =	wrdreg $0xFFFFFFFF;
	(pc) =	sbr.abs _section_cstart, $3  }
0xc0: {  	[dreg:$0x1] =	wrdreg $0xFFFFFFFF  }
0xc1: {  	_ =	task.clear_ibuf [dreg:s7], $0x2FFFF;
	_ =	strace $0x9FFFFFFF  }
0xc2: {  	(tm) =	ssettm $0x7FFFFFFF  }
0xc3: {  	_ =	shalt  }
tec
execute0_lowered:
.L_overlay_start_1:
0x0: {  	(tag) =	ssettag $0x1  }
0x1: {  	s0 =	rddreg [dreg:$0x0]  }
0x2: {  	s1 =	rddreg [dreg:$0x1];
	s2 =	simm.s32 $0x0  }
0x3: {  	s3 =	srdreg.scid;
	s4 =	stileid.u32;
	s9 =	simm.s32 $0x2  }
0x4: {  	s11 =	simm.s32 $0x80;
	s14 =	simm.s32 $0x1;
	s13 =	simm.s32 $0x48  }
0x5: {  	s25 =	simm.s32 $0x7C80;
	s28 =	simm.s32 $0x7D00;
	s29 =	simm.s32 $0xFD00  }
0x6: {  	s30 =	simm.s32 $0x7D80;
	s31 =	simm.s32 $0xFD80;
	s10 =	simm.s32 $0x7E80  }
0x7: {  	s12 =	simm.s32 $0xFE80;
	s15 =	simm.s32 $0x7F00;
	s16 =	simm.s32 $0xFF00  }
0x8: {  	s17 =	simm.s32 $0x7F80;
	s18 =	simm.s32 $0xFF80;
	s19 =	simm.s32 $0x8000  }
0x9: {  	s20 =	simm.s32 $0xC000;
	s21 =	simm.s32 $0x0;
	s3 =	sand.u32 $0x1, s3  }
0xa: {  	[smem:$0x7FF] =	sst s2;
	s4 =	sshll.u32 s4, $0xC;
	s5 =	sshll.u32 s3, $0xB  }
0xb: {  	s6 =	ssub.s32 $0x2, s3;
	_ =	strace $0x80000047;
	s4 =	sor.u32 s5, s4  }
0xc: {  	s3 =	sadd.s32 $0x11600, s1;
	s26 =	sshrl.u32 s6, $0x1;
	s1 =	sadd.s32 s4, s1  }
0xd: {  	s8 =	ssub.s32 s6, s26;
	s4 =	sadd.s32 s0, s4;
	s26 =	simm.s32 $0xFC80  }
0xe: {  	s0 =	simm.s32 $0x7E00;
	s5 =	sadd.s32 $0x1600, s1;
	s6 =	sadd.s32 $0x30000, s1  }
0xf: {  	s7 =	sadd.s32 $0x40000, s1;
	s8 =	smax.u32 s8, $0x1;
	s1 =	simm.s32 $0xFE00  }
.LBB2_1:
0x10: {  	[tilespmem:s2], [sflag:$0x2] =	stream.linear.gather [hbm4b:s4+s2], $0x4000, $0x38;
	[tilespmem:$0x10000] =	vst v63  }
0x11: {  	_ =	swait.ge [sflag:s9], $0x4000  }
0x12: {  	[sflag:s9] =	ssyncset.done $0x0  }
0x13: {  	s22 =	simm.s32 $0x4000;
	[sflag:s9] =	ssyncadd.s32 $0xFFFFC000  }
0x14: {  	[tilespmem:s22], [sflag:$0x2] =	stream.linear.gather [hbm4b:s5+s2], $0x4000, $0x38;
	[tilespmem:$0x10000] =	vst v63  }
0x15: {  	_ =	swait.ge [sflag:s9], $0x4000  }
0x16: {  	s23 =	simm.s32 $0x0;
	[sflag:s9] =	ssyncset.done $0x0  }
0x17: {  	s24 =	simm.s32 $0x8000;
	s22 =	simm.s32 $0x200;
	[sflag:s9] =	ssyncadd.s32 $0xFFFFC000  }
.LBB2_2:
0x18: {  	[tilespmem:s24], [sflag:$0x1] =	stream.indirect.gather [hbm4b:s3+s11], $0x1, s23, s11, $0xb8;
	[tilespmem:$0x10000] =	vst v63  }
0x19: {  	s23 =	smov.u32 s22;
	p0 =	sne.s32 s22, $0xBE00  }
.Ltmp0:
0x1a: {  	s22 =	sadd.s32 $0x200, s22;
	(pc) =	sbr.rel @p0 .LBB2_2-.Ltmp0, $3  }
0x1b: {  	_ =	sdelay $0x1  }
0x1c: {  	s23 =	sshra.s32 s23, $0x2  }
0x1d: {  	s24 =	sadd.s32 $0x8000, s23  }
0x1e: {  	[tilespmem:s24], [sflag:$0x1] =	stream.indirect.gather [hbm4b:s3+s11], $0x1, s23, s11, $0xb8;
	[tilespmem:$0x10000] =	vst v63  }
0x1f: {  	s22 =	simm.s32 $0x3000;
	s24 =	simm.s32 $0xB000  }
0x20: {  	[tilespmem:s24], [sflag:$0x1] =	stream.indirect.gather [hbm4b:s3+s11], $0x1, s22, s11, $0xb8;
	[tilespmem:$0x10000] =	vst v63  }
0x21: {  	_ =	swait.ge [sflag:s14], $0x80  }
0x22: {  	[sflag:s14] =	ssyncset.done $0x0  }
0x23: {  	s23 =	simm.s32 $0x3080;
	s24 =	simm.s32 $0xB080;
	[sflag:s14] =	ssyncadd.s32 $0xFFFFFF80  }
0x24: {  	[tilespmem:s24], [sflag:$0x1] =	stream.indirect.gather [hbm4b:s3+s11], $0x1, s23, s11, $0xb8;
	[tilespmem:$0x10000] =	vst v63  }
0x25: {  	_ =	swait.ge [sflag:s14], $0x80  }
0x26: {  	[sflag:s14] =	ssyncset.done $0x0  }
0x27: {  	s23 =	simm.s32 $0x3100;
	s24 =	simm.s32 $0xB100;
	[sflag:s14] =	ssyncadd.s32 $0xFFFFFF80  }
0x28: {  	[tilespmem:s24], [sflag:$0x1] =	stream.indirect.gather [hbm4b:s3+s11], $0x1, s23, s11, $0xb8;
	[tilespmem:$0x10000] =	vst v63  }
0x29: {  	_ =	swait.ge [sflag:s14], $0x80  }
0x2a: {  	[sflag:s14] =	ssyncset.done $0x0  }
0x2b: {  	s23 =	simm.s32 $0x3180;
	s24 =	simm.s32 $0xB180;
	[sflag:s14] =	ssyncadd.s32 $0xFFFFFF80  }
0x2c: {  	[tilespmem:s24], [sflag:$0x1] =	stream.indirect.gather [hbm4b:s3+s11], $0x1, s23, s11, $0xb8;
	[tilespmem:$0x10000] =	vst v63  }
0x2d: {  	_ =	swait.ge [sflag:s14], $0x80  }
0x2e: {  	[sflag:s14] =	ssyncset.done $0x0  }
0x2f: {  	s23 =	simm.s32 $0x3200;
	s24 =	simm.s32 $0xB200;
	[sflag:s14] =	ssyncadd.s32 $0xFFFFFF80  }
0x30: {  	[tilespmem:s24], [sflag:$0x1] =	stream.indirect.gather [hbm4b:s3+s11], $0x1, s23, s11, $0xb8;
	[tilespmem:$0x10000] =	vst v63  }
0x31: {  	_ =	swait.ge [sflag:s14], $0x80  }
0x32: {  	[sflag:s14] =	ssyncset.done $0x0  }
0x33: {  	s23 =	simm.s32 $0x3280;
	s24 =	simm.s32 $0xB280;
	[sflag:s14] =	ssyncadd.s32 $0xFFFFFF80  }
0x34: {  	[tilespmem:s24], [sflag:$0x1] =	stream.indirect.gather [hbm4b:s3+s11], $0x1, s23, s11, $0xb8;
	[tilespmem:$0x10000] =	vst v63  }
0x35: {  	_ =	swait.ge [sflag:s14], $0x80  }
0x36: {  	[sflag:s14] =	ssyncset.done $0x0  }
0x37: {  	s23 =	simm.s32 $0x3300;
	s24 =	simm.s32 $0xB300;
	[sflag:s14] =	ssyncadd.s32 $0xFFFFFF80  }
0x38: {  	[tilespmem:s24], [sflag:$0x1] =	stream.indirect.gather [hbm4b:s3+s11], $0x1, s23, s11, $0xb8;
	[tilespmem:$0x10000] =	vst v63  }
0x39: {  	_ =	swait.ge [sflag:s14], $0x80  }
0x3a: {  	[sflag:s14] =	ssyncset.done $0x0  }
0x3b: {  	s23 =	simm.s32 $0x3380;
	s24 =	simm.s32 $0xB380;
	[sflag:s14] =	ssyncadd.s32 $0xFFFFFF80  }
0x3c: {  	[tilespmem:s24], [sflag:$0x1] =	stream.indirect.gather [hbm4b:s3+s11], $0x1, s23, s11, $0xb8;
	[tilespmem:$0x10000] =	vst v63  }
0x3d: {  	_ =	swait.ge [sflag:s14], $0x80  }
0x3e: {  	[sflag:s14] =	ssyncset.done $0x0  }
0x3f: {  	s23 =	simm.s32 $0x3400;
	s24 =	simm.s32 $0xB400;
	[sflag:s14] =	ssyncadd.s32 $0xFFFFFF80  }
0x40: {  	[tilespmem:s24], [sflag:$0x1] =	stream.indirect.gather [hbm4b:s3+s11], $0x1, s23, s11, $0xb8;
	[tilespmem:$0x10000] =	vst v63  }
0x41: {  	_ =	swait.ge [sflag:s14], $0x80  }
0x42: {  	[sflag:s14] =	ssyncset.done $0x0  }
0x43: {  	s23 =	simm.s32 $0x3480;
	s24 =	simm.s32 $0xB480;
	[sflag:s14] =	ssyncadd.s32 $0xFFFFFF80  }
0x44: {  	[tilespmem:s24], [sflag:$0x1] =	stream.indirect.gather [hbm4b:s3+s11], $0x1, s23, s11, $0xb8;
	[tilespmem:$0x10000] =	vst v63  }
0x45: {  	_ =	swait.ge [sflag:s14], $0x80  }
0x46: {  	[sflag:s14] =	ssyncset.done $0x0  }
0x47: {  	s23 =	simm.s32 $0x3500;
	s24 =	simm.s32 $0xB500;
	[sflag:s14] =	ssyncadd.s32 $0xFFFFFF80  }
0x48: {  	[tilespmem:s24], [sflag:$0x1] =	stream.indirect.gather [hbm4b:s3+s11], $0x1, s23, s11, $0xb8;
	[tilespmem:$0x10000] =	vst v63  }
0x49: {  	_ =	swait.ge [sflag:s14], $0x80  }
0x4a: {  	[sflag:s14] =	ssyncset.done $0x0  }
0x4b: {  	s23 =	simm.s32 $0x3580;
	s24 =	simm.s32 $0xB580;
	[sflag:s14] =	ssyncadd.s32 $0xFFFFFF80  }
0x4c: {  	[tilespmem:s24], [sflag:$0x1] =	stream.indirect.gather [hbm4b:s3+s11], $0x1, s23, s11, $0xb8;
	[tilespmem:$0x10000] =	vst v63  }
0x4d: {  	_ =	swait.ge [sflag:s14], $0x80  }
0x4e: {  	[sflag:s14] =	ssyncset.done $0x0  }
0x4f: {  	s23 =	simm.s32 $0x3600;
	s24 =	simm.s32 $0xB600;
	[sflag:s14] =	ssyncadd.s32 $0xFFFFFF80  }
0x50: {  	[tilespmem:s24], [sflag:$0x1] =	stream.indirect.gather [hbm4b:s3+s11], $0x1, s23, s11, $0xb8;
	[tilespmem:$0x10000] =	vst v63  }
0x51: {  	_ =	swait.ge [sflag:s14], $0x80  }
0x52: {  	[sflag:s14] =	ssyncset.done $0x0  }
0x53: {  	s23 =	simm.s32 $0x3680;
	s24 =	simm.s32 $0xB680;
	[sflag:s14] =	ssyncadd.s32 $0xFFFFFF80  }
0x54: {  	[tilespmem:s24], [sflag:$0x1] =	stream.indirect.gather [hbm4b:s3+s11], $0x1, s23, s11, $0xb8;
	[tilespmem:$0x10000] =	vst v63  }
0x55: {  	_ =	swait.ge [sflag:s14], $0x80  }
0x56: {  	[sflag:s14] =	ssyncset.done $0x0  }
0x57: {  	s23 =	simm.s32 $0x3700;
	s24 =	simm.s32 $0xB700;
	[sflag:s14] =	ssyncadd.s32 $0xFFFFFF80  }
0x58: {  	[tilespmem:s24], [sflag:$0x1] =	stream.indirect.gather [hbm4b:s3+s11], $0x1, s23, s11, $0xb8;
	[tilespmem:$0x10000] =	vst v63  }
0x59: {  	_ =	swait.ge [sflag:s14], $0x80  }
0x5a: {  	[sflag:s14] =	ssyncset.done $0x0  }
0x5b: {  	s23 =	simm.s32 $0x3780;
	s24 =	simm.s32 $0xB780;
	[sflag:s14] =	ssyncadd.s32 $0xFFFFFF80  }
0x5c: {  	[tilespmem:s24], [sflag:$0x1] =	stream.indirect.gather [hbm4b:s3+s11], $0x1, s23, s11, $0xb8;
	[tilespmem:$0x10000] =	vst v63  }
0x5d: {  	_ =	swait.ge [sflag:s14], $0x80  }
0x5e: {  	[sflag:s14] =	ssyncset.done $0x0  }
0x5f: {  	s23 =	simm.s32 $0x3800;
	s24 =	simm.s32 $0xB800;
	[sflag:s14] =	ssyncadd.s32 $0xFFFFFF80  }
0x60: {  	[tilespmem:s24], [sflag:$0x1] =	stream.indirect.gather [hbm4b:s3+s11], $0x1, s23, s11, $0xb8;
	[tilespmem:$0x10000] =	vst v63  }
0x61: {  	_ =	swait.ge [sflag:s14], $0x80  }
0x62: {  	[sflag:s14] =	ssyncset.done $0x0  }
0x63: {  	s23 =	simm.s32 $0x3880;
	s24 =	simm.s32 $0xB880;
	[sflag:s14] =	ssyncadd.s32 $0xFFFFFF80  }
0x64: {  	[tilespmem:s24], [sflag:$0x1] =	stream.indirect.gather [hbm4b:s3+s11], $0x1, s23, s11, $0xb8;
	[tilespmem:$0x10000] =	vst v63  }
0x65: {  	_ =	swait.ge [sflag:s14], $0x80  }
0x66: {  	[sflag:s14] =	ssyncset.done $0x0  }
0x67: {  	s23 =	simm.s32 $0x3900;
	s24 =	simm.s32 $0xB900;
	[sflag:s14] =	ssyncadd.s32 $0xFFFFFF80  }
0x68: {  	[tilespmem:s24], [sflag:$0x1] =	stream.indirect.gather [hbm4b:s3+s11], $0x1, s23, s11, $0xb8;
	[tilespmem:$0x10000] =	vst v63  }
0x69: {  	_ =	swait.ge [sflag:s14], $0x80  }
0x6a: {  	[sflag:s14] =	ssyncset.done $0x0  }
0x6b: {  	s23 =	simm.s32 $0x3980;
	s24 =	simm.s32 $0xB980;
	[sflag:s14] =	ssyncadd.s32 $0xFFFFFF80  }
0x6c: {  	[tilespmem:s24], [sflag:$0x1] =	stream.indirect.gather [hbm4b:s3+s11], $0x1, s23, s11, $0xb8;
	[tilespmem:$0x10000] =	vst v63  }
0x6d: {  	_ =	swait.ge [sflag:s14], $0x80  }
0x6e: {  	[sflag:s14] =	ssyncset.done $0x0  }
0x6f: {  	s23 =	simm.s32 $0x3A00;
	s24 =	simm.s32 $0xBA00;
	[sflag:s14] =	ssyncadd.s32 $0xFFFFFF80  }
0x70: {  	[tilespmem:s24], [sflag:$0x1] =	stream.indirect.gather [hbm4b:s3+s11], $0x1, s23, s11, $0xb8;
	[tilespmem:$0x10000] =	vst v63  }
0x71: {  	_ =	swait.ge [sflag:s14], $0x80  }
0x72: {  	[sflag:s14] =	ssyncset.done $0x0  }
0x73: {  	s23 =	simm.s32 $0x3A80;
	s24 =	simm.s32 $0xBA80;
	[sflag:s14] =	ssyncadd.s32 $0xFFFFFF80  }
0x74: {  	[tilespmem:s24], [sflag:$0x1] =	stream.indirect.gather [hbm4b:s3+s11], $0x1, s23, s11, $0xb8;
	[tilespmem:$0x10000] =	vst v63  }
0x75: {  	_ =	swait.ge [sflag:s14], $0x80  }
0x76: {  	[sflag:s14] =	ssyncset.done $0x0  }
0x77: {  	s23 =	simm.s32 $0x3B00;
	s24 =	simm.s32 $0xBB00;
	[sflag:s14] =	ssyncadd.s32 $0xFFFFFF80  }
0x78: {  	[tilespmem:s24], [sflag:$0x1] =	stream.indirect.gather [hbm4b:s3+s11], $0x1, s23, s11, $0xb8;
	[tilespmem:$0x10000] =	vst v63  }
0x79: {  	_ =	swait.ge [sflag:s14], $0x80  }
0x7a: {  	[sflag:s14] =	ssyncset.done $0x0  }
0x7b: {  	s23 =	simm.s32 $0x3B80;
	s24 =	simm.s32 $0xBB80;
	[sflag:s14] =	ssyncadd.s32 $0xFFFFFF80  }
0x7c: {  	[tilespmem:s24], [sflag:$0x1] =	stream.indirect.gather [hbm4b:s3+s11], $0x1, s23, s11, $0xb8;
	[tilespmem:$0x10000] =	vst v63  }
0x7d: {  	_ =	swait.ge [sflag:s14], $0x80  }
0x7e: {  	[sflag:s14] =	ssyncset.done $0x0  }
0x7f: {  	s23 =	simm.s32 $0x3C00;
	s24 =	simm.s32 $0xBC00;
	[sflag:s14] =	ssyncadd.s32 $0xFFFFFF80  }
0x80: {  	[tilespmem:s24], [sflag:$0x1] =	stream.indirect.gather [hbm4b:s3+s11], $0x1, s23, s11, $0xb8;
	[tilespmem:$0x10000] =	vst v63  }
0x81: {  	_ =	swait.ge [sflag:s14], $0x80  }
0x82: {  	[sflag:s14] =	ssyncset.done $0x0  }
0x83: {  	s23 =	simm.s32 $0x3C80;
	s24 =	simm.s32 $0xBC80;
	[sflag:s14] =	ssyncadd.s32 $0xFFFFFF80  }
0x84: {  	[tilespmem:s24], [sflag:$0x1] =	stream.indirect.gather [hbm4b:s3+s11], $0x1, s23, s11, $0xb8;
	[tilespmem:$0x10000] =	vst v63  }
0x85: {  	_ =	swait.ge [sflag:s14], $0x80  }
0x86: {  	[sflag:s14] =	ssyncset.done $0x0  }
0x87: {  	s23 =	simm.s32 $0x3D00;
	s24 =	simm.s32 $0xBD00;
	[sflag:s14] =	ssyncadd.s32 $0xFFFFFF80  }
0x88: {  	[tilespmem:s24], [sflag:$0x1] =	stream.indirect.gather [hbm4b:s3+s11], $0x1, s23, s11, $0xb8;
	[tilespmem:$0x10000] =	vst v63  }
0x89: {  	_ =	swait.ge [sflag:s14], $0x80  }
0x8a: {  	[sflag:s14] =	ssyncset.done $0x0  }
0x8b: {  	s23 =	simm.s32 $0x3D80;
	s24 =	simm.s32 $0xBD80;
	[sflag:s14] =	ssyncadd.s32 $0xFFFFFF80  }
0x8c: {  	[tilespmem:s24], [sflag:$0x1] =	stream.indirect.gather [hbm4b:s3+s11], $0x1, s23, s11, $0xb8;
	[tilespmem:$0x10000] =	vst v63  }
0x8d: {  	_ =	swait.ge [sflag:s14], $0x80  }
0x8e: {  	[sflag:s14] =	ssyncset.done $0x0  }
0x8f: {  	s23 =	simm.s32 $0x3E00;
	s24 =	simm.s32 $0xBE00;
	[sflag:s14] =	ssyncadd.s32 $0xFFFFFF80  }
0x90: {  	[tilespmem:s24], [sflag:$0x1] =	stream.indirect.gather [hbm4b:s3+s11], $0x1, s23, s11, $0xb8;
	[tilespmem:$0x10000] =	vst v63  }
0x91: {  	_ =	swait.ge [sflag:s14], $0x80  }
0x92: {  	[sflag:s14] =	ssyncset.done $0x0  }
0x93: {  	s23 =	simm.s32 $0x3E80;
	s24 =	simm.s32 $0xBE80;
	[sflag:s14] =	ssyncadd.s32 $0xFFFFFF80  }
0x94: {  	[tilespmem:s24], [sflag:$0x1] =	stream.indirect.gather [hbm4b:s3+s11], $0x1, s23, s11, $0xb8;
	[tilespmem:$0x10000] =	vst v63  }
0x95: {  	_ =	swait.ge [sflag:s14], $0x80  }
0x96: {  	[sflag:s14] =	ssyncset.done $0x0  }
0x97: {  	s23 =	simm.s32 $0x3F00;
	s24 =	simm.s32 $0xBF00;
	[sflag:s14] =	ssyncadd.s32 $0xFFFFFF80  }
0x98: {  	[tilespmem:s24], [sflag:$0x1] =	stream.indirect.gather [hbm4b:s3+s11], $0x1, s23, s11, $0xb8;
	[tilespmem:$0x10000] =	vst v63  }
0x99: {  	_ =	swait.ge [sflag:s14], $0x80  }
0x9a: {  	[sflag:s14] =	ssyncset.done $0x0  }
0x9b: {  	s23 =	simm.s32 $0x3F80;
	s24 =	simm.s32 $0xBF80;
	[sflag:s14] =	ssyncadd.s32 $0xFFFFFF80  }
0x9c: {  	[tilespmem:s24], [sflag:$0x1] =	stream.indirect.gather [hbm4b:s3+s11], $0x1, s23, s11, $0xb8;
	[tilespmem:$0x10000] =	vst v63  }
0x9d: {  	_ =	swait.ge [sflag:s14], $0x80  }
0x9e: {  	[sflag:s14] =	ssyncset.done $0x0  }
0x9f: {  	s22 =	simm.s32 $0x60;
	[sflag:s14] =	ssyncadd.s32 $0xFFFFFF80  }
.LBB2_4:
0xa0: {  	p0 =	sne.s32 s22, $0x1  }
.Ltmp1:
0xa1: {  	_ = 	snop;
	(pc) =	sbr.rel @p0 .LBB2_4-.Ltmp1, $4  }
0xa2: {  	_ = 	snop  }
0xa3: {  	_ =	swait.ge [sflag:s14], $0x80  }
0xa4: {  	[sflag:s14] =	ssyncset.done $0x0  }
0xa5: {  	s22 =	sadd.s32 $0xFFFFFFFF, s22;
	[sflag:s14] =	ssyncadd.s32 $0xFFFFFF80  }
0xa6: {  	s22 =	simm.s32 $0x200;
	s23 =	simm.s32 $0xC000;
	s24 =	simm.s32 $0x4000  }
.LBB2_6:
0xa7: {  	[tilespmem:s23], [sflag:$0x1] =	stream.indirect.gather [hbm4b:s3+s13], $0x1, s24, s13, $0xb8;
	[tilespmem:$0x10000] =	vst v63  }
0xa8: {  	s23 =	smov.u32 s22;
	p0 =	sne.s32 s22, $0xBE00  }
.Ltmp2:
0xa9: {  	s22 =	sadd.s32 $0x200, s22;
	(pc) =	sbr.rel @p0 .LBB2_6-.Ltmp2, $3  }
0xaa: {  	_ =	sdelay $0x1  }
0xab: {  	s24 =	sshra.s32 s23, $0x2  }
0xac: {  	s23 =	sadd.s32 $0xC000, s24;
	s24 =	sadd.s32 $0x4000, s24  }
0xad: {  	[tilespmem:s23], [sflag:$0x1] =	stream.indirect.gather [hbm4b:s3+s13], $0x1, s24, s13, $0xb8;
	[tilespmem:$0x10000] =	vst v63  }
0xae: {  	s22 =	simm.s32 $0x7000;
	s24 =	simm.s32 $0xF000  }
0xaf: {  	[tilespmem:s24], [sflag:$0x1] =	stream.indirect.gather [hbm4b:s3+s13], $0x1, s22, s13, $0xb8;
	[tilespmem:$0x10000] =	vst v63  }
0xb0: {  	_ =	swait.ge [sflag:s14], $0x48  }
0xb1: {  	[sflag:s14] =	ssyncset.done $0x0  }
0xb2: {  	s23 =	simm.s32 $0x7080;
	s24 =	simm.s32 $0xF080;
	[sflag:s14] =	ssyncadd.s32 $0xFFFFFFB8  }
0xb3: {  	[tilespmem:s24], [sflag:$0x1] =	stream.indirect.gather [hbm4b:s3+s13], $0x1, s23, s13, $0xb8;
	[tilespmem:$0x10000] =	vst v63  }
0xb4: {  	_ =	swait.ge [sflag:s14], $0x48  }
0xb5: {  	[sflag:s14] =	ssyncset.done $0x0  }
0xb6: {  	s23 =	simm.s32 $0x7100;
	s24 =	simm.s32 $0xF100;
	[sflag:s14] =	ssyncadd.s32 $0xFFFFFFB8  }
0xb7: {  	[tilespmem:s24], [sflag:$0x1] =	stream.indirect.gather [hbm4b:s3+s13], $0x1, s23, s13, $0xb8;
	[tilespmem:$0x10000] =	vst v63  }
0xb8: {  	_ =	swait.ge [sflag:s14], $0x48  }
0xb9: {  	[sflag:s14] =	ssyncset.done $0x0  }
0xba: {  	s23 =	simm.s32 $0x7180;
	s24 =	simm.s32 $0xF180;
	[sflag:s14] =	ssyncadd.s32 $0xFFFFFFB8  }
0xbb: {  	[tilespmem:s24], [sflag:$0x1] =	stream.indirect.gather [hbm4b:s3+s13], $0x1, s23, s13, $0xb8;
	[tilespmem:$0x10000] =	vst v63  }
0xbc: {  	_ =	swait.ge [sflag:s14], $0x48  }
0xbd: {  	[sflag:s14] =	ssyncset.done $0x0  }
0xbe: {  	s23 =	simm.s32 $0x7200;
	s24 =	simm.s32 $0xF200;
	[sflag:s14] =	ssyncadd.s32 $0xFFFFFFB8  }
0xbf: {  	[tilespmem:s24], [sflag:$0x1] =	stream.indirect.gather [hbm4b:s3+s13], $0x1, s23, s13, $0xb8;
	[tilespmem:$0x10000] =	vst v63  }
0xc0: {  	_ =	swait.ge [sflag:s14], $0x48  }
0xc1: {  	[sflag:s14] =	ssyncset.done $0x0  }
0xc2: {  	s23 =	simm.s32 $0x7280;
	s24 =	simm.s32 $0xF280;
	[sflag:s14] =	ssyncadd.s32 $0xFFFFFFB8  }
0xc3: {  	[tilespmem:s24], [sflag:$0x1] =	stream.indirect.gather [hbm4b:s3+s13], $0x1, s23, s13, $0xb8;
	[tilespmem:$0x10000] =	vst v63  }
0xc4: {  	_ =	swait.ge [sflag:s14], $0x48  }
0xc5: {  	[sflag:s14] =	ssyncset.done $0x0  }
0xc6: {  	s23 =	simm.s32 $0x7300;
	s24 =	simm.s32 $0xF300;
	[sflag:s14] =	ssyncadd.s32 $0xFFFFFFB8  }
0xc7: {  	[tilespmem:s24], [sflag:$0x1] =	stream.indirect.gather [hbm4b:s3+s13], $0x1, s23, s13, $0xb8;
	[tilespmem:$0x10000] =	vst v63  }
0xc8: {  	_ =	swait.ge [sflag:s14], $0x48  }
0xc9: {  	[sflag:s14] =	ssyncset.done $0x0  }
0xca: {  	s23 =	simm.s32 $0x7380;
	s24 =	simm.s32 $0xF380;
	[sflag:s14] =	ssyncadd.s32 $0xFFFFFFB8  }
0xcb: {  	[tilespmem:s24], [sflag:$0x1] =	stream.indirect.gather [hbm4b:s3+s13], $0x1, s23, s13, $0xb8;
	[tilespmem:$0x10000] =	vst v63  }
0xcc: {  	_ =	swait.ge [sflag:s14], $0x48  }
0xcd: {  	[sflag:s14] =	ssyncset.done $0x0  }
0xce: {  	s23 =	simm.s32 $0x7400;
	s24 =	simm.s32 $0xF400;
	[sflag:s14] =	ssyncadd.s32 $0xFFFFFFB8  }
0xcf: {  	[tilespmem:s24], [sflag:$0x1] =	stream.indirect.gather [hbm4b:s3+s13], $0x1, s23, s13, $0xb8;
	[tilespmem:$0x10000] =	vst v63  }
0xd0: {  	_ =	swait.ge [sflag:s14], $0x48  }
0xd1: {  	[sflag:s14] =	ssyncset.done $0x0  }
0xd2: {  	s23 =	simm.s32 $0x7480;
	s24 =	simm.s32 $0xF480;
	[sflag:s14] =	ssyncadd.s32 $0xFFFFFFB8  }
0xd3: {  	[tilespmem:s24], [sflag:$0x1] =	stream.indirect.gather [hbm4b:s3+s13], $0x1, s23, s13, $0xb8;
	[tilespmem:$0x10000] =	vst v63  }
0xd4: {  	_ =	swait.ge [sflag:s14], $0x48  }
0xd5: {  	[sflag:s14] =	ssyncset.done $0x0  }
0xd6: {  	s23 =	simm.s32 $0x7500;
	s24 =	simm.s32 $0xF500;
	[sflag:s14] =	ssyncadd.s32 $0xFFFFFFB8  }
0xd7: {  	[tilespmem:s24], [sflag:$0x1] =	stream.indirect.gather [hbm4b:s3+s13], $0x1, s23, s13, $0xb8;
	[tilespmem:$0x10000] =	vst v63  }
0xd8: {  	_ =	swait.ge [sflag:s14], $0x48  }
0xd9: {  	[sflag:s14] =	ssyncset.done $0x0  }
0xda: {  	s23 =	simm.s32 $0x7580;
	s24 =	simm.s32 $0xF580;
	[sflag:s14] =	ssyncadd.s32 $0xFFFFFFB8  }
0xdb: {  	[tilespmem:s24], [sflag:$0x1] =	stream.indirect.gather [hbm4b:s3+s13], $0x1, s23, s13, $0xb8;
	[tilespmem:$0x10000] =	vst v63  }
0xdc: {  	_ =	swait.ge [sflag:s14], $0x48  }
0xdd: {  	[sflag:s14] =	ssyncset.done $0x0  }
0xde: {  	s23 =	simm.s32 $0x7600;
	s24 =	simm.s32 $0xF600;
	[sflag:s14] =	ssyncadd.s32 $0xFFFFFFB8  }
0xdf: {  	[tilespmem:s24], [sflag:$0x1] =	stream.indirect.gather [hbm4b:s3+s13], $0x1, s23, s13, $0xb8;
	[tilespmem:$0x10000] =	vst v63  }
0xe0: {  	_ =	swait.ge [sflag:s14], $0x48  }
0xe1: {  	[sflag:s14] =	ssyncset.done $0x0  }
0xe2: {  	s23 =	simm.s32 $0x7680;
	s24 =	simm.s32 $0xF680;
	[sflag:s14] =	ssyncadd.s32 $0xFFFFFFB8  }
0xe3: {  	[tilespmem:s24], [sflag:$0x1] =	stream.indirect.gather [hbm4b:s3+s13], $0x1, s23, s13, $0xb8;
	[tilespmem:$0x10000] =	vst v63  }
0xe4: {  	_ =	swait.ge [sflag:s14], $0x48  }
0xe5: {  	[sflag:s14] =	ssyncset.done $0x0  }
0xe6: {  	s23 =	simm.s32 $0x7700;
	s24 =	simm.s32 $0xF700;
	[sflag:s14] =	ssyncadd.s32 $0xFFFFFFB8  }
0xe7: {  	[tilespmem:s24], [sflag:$0x1] =	stream.indirect.gather [hbm4b:s3+s13], $0x1, s23, s13, $0xb8;
	[tilespmem:$0x10000] =	vst v63  }
0xe8: {  	_ =	swait.ge [sflag:s14], $0x48  }
0xe9: {  	[sflag:s14] =	ssyncset.done $0x0  }
0xea: {  	s23 =	simm.s32 $0x7780;
	s24 =	simm.s32 $0xF780;
	[sflag:s14] =	ssyncadd.s32 $0xFFFFFFB8  }
0xeb: {  	[tilespmem:s24], [sflag:$0x1] =	stream.indirect.gather [hbm4b:s3+s13], $0x1, s23, s13, $0xb8;
	[tilespmem:$0x10000] =	vst v63  }
0xec: {  	_ =	swait.ge [sflag:s14], $0x48  }
0xed: {  	[sflag:s14] =	ssyncset.done $0x0  }
0xee: {  	s23 =	simm.s32 $0x7800;
	s24 =	simm.s32 $0xF800;
	[sflag:s14] =	ssyncadd.s32 $0xFFFFFFB8  }
0xef: {  	[tilespmem:s24], [sflag:$0x1] =	stream.indirect.gather [hbm4b:s3+s13], $0x1, s23, s13, $0xb8;
	[tilespmem:$0x10000] =	vst v63  }
0xf0: {  	_ =	swait.ge [sflag:s14], $0x48  }
0xf1: {  	[sflag:s14] =	ssyncset.done $0x0  }
0xf2: {  	s23 =	simm.s32 $0x7880;
	s24 =	simm.s32 $0xF880;
	[sflag:s14] =	ssyncadd.s32 $0xFFFFFFB8  }
0xf3: {  	[tilespmem:s24], [sflag:$0x1] =	stream.indirect.gather [hbm4b:s3+s13], $0x1, s23, s13, $0xb8;
	[tilespmem:$0x10000] =	vst v63  }
0xf4: {  	_ =	swait.ge [sflag:s14], $0x48  }
0xf5: {  	[sflag:s14] =	ssyncset.done $0x0  }
0xf6: {  	s23 =	simm.s32 $0x7900;
	s24 =	simm.s32 $0xF900;
	[sflag:s14] =	ssyncadd.s32 $0xFFFFFFB8  }
0xf7: {  	[tilespmem:s24], [sflag:$0x1] =	stream.indirect.gather [hbm4b:s3+s13], $0x1, s23, s13, $0xb8;
	[tilespmem:$0x10000] =	vst v63  }
0xf8: {  	_ =	swait.ge [sflag:s14], $0x48  }
0xf9: {  	[sflag:s14] =	ssyncset.done $0x0  }
0xfa: {  	s23 =	simm.s32 $0x7980;
	s24 =	simm.s32 $0xF980;
	[sflag:s14] =	ssyncadd.s32 $0xFFFFFFB8  }
0xfb: {  	[tilespmem:s24], [sflag:$0x1] =	stream.indirect.gather [hbm4b:s3+s13], $0x1, s23, s13, $0xb8;
	[tilespmem:$0x10000] =	vst v63  }
0xfc: {  	_ =	swait.ge [sflag:s14], $0x48  }
0xfd: {  	[sflag:s14] =	ssyncset.done $0x0  }
0xfe: {  	s23 =	simm.s32 $0x7A00;
	s24 =	simm.s32 $0xFA00;
	[sflag:s14] =	ssyncadd.s32 $0xFFFFFFB8  }
0xff: {  	[tilespmem:s24], [sflag:$0x1] =	stream.indirect.gather [hbm4b:s3+s13], $0x1, s23, s13, $0xb8;
	[tilespmem:$0x10000] =	vst v63  }
0x100: {  	_ =	swait.ge [sflag:s14], $0x48  }
0x101: {  	[sflag:s14] =	ssyncset.done $0x0  }
0x102: {  	s23 =	simm.s32 $0x7A80;
	s24 =	simm.s32 $0xFA80;
	[sflag:s14] =	ssyncadd.s32 $0xFFFFFFB8  }
0x103: {  	[tilespmem:s24], [sflag:$0x1] =	stream.indirect.gather [hbm4b:s3+s13], $0x1, s23, s13, $0xb8;
	[tilespmem:$0x10000] =	vst v63  }
0x104: {  	_ =	swait.ge [sflag:s14], $0x48  }
0x105: {  	[sflag:s14] =	ssyncset.done $0x0  }
0x106: {  	s23 =	simm.s32 $0x7B00;
	s24 =	simm.s32 $0xFB00;
	[sflag:s14] =	ssyncadd.s32 $0xFFFFFFB8  }
0x107: {  	[tilespmem:s24], [sflag:$0x1] =	stream.indirect.gather [hbm4b:s3+s13], $0x1, s23, s13, $0xb8;
	[tilespmem:$0x10000] =	vst v63  }
0x108: {  	_ =	swait.ge [sflag:s14], $0x48  }
0x109: {  	[sflag:s14] =	ssyncset.done $0x0  }
0x10a: {  	s23 =	simm.s32 $0x7B80;
	s24 =	simm.s32 $0xFB80;
	[sflag:s14] =	ssyncadd.s32 $0xFFFFFFB8  }
0x10b: {  	[tilespmem:s24], [sflag:$0x1] =	stream.indirect.gather [hbm4b:s3+s13], $0x1, s23, s13, $0xb8;
	[tilespmem:$0x10000] =	vst v63  }
0x10c: {  	_ =	swait.ge [sflag:s14], $0x48  }
0x10d: {  	[sflag:s14] =	ssyncset.done $0x0  }
0x10e: {  	s23 =	simm.s32 $0x7C00;
	s24 =	simm.s32 $0xFC00;
	[sflag:s14] =	ssyncadd.s32 $0xFFFFFFB8  }
0x10f: {  	[tilespmem:s24], [sflag:$0x1] =	stream.indirect.gather [hbm4b:s3+s13], $0x1, s23, s13, $0xb8;
	[tilespmem:$0x10000] =	vst v63  }
0x110: {  	_ =	swait.ge [sflag:s14], $0x48  }
0x111: {  	[sflag:s14] =	ssyncset.done $0x0  }
0x112: {  	[sflag:s14] =	ssyncadd.s32 $0xFFFFFFB8  }
0x113: {  	[tilespmem:s26], [sflag:$0x1] =	stream.indirect.gather [hbm4b:s3+s13], $0x1, s25, s13, $0xb8;
	[tilespmem:$0x10000] =	vst v63  }
0x114: {  	_ =	swait.ge [sflag:s14], $0x48  }
0x115: {  	[sflag:s14] =	ssyncset.done $0x0  }
0x116: {  	[sflag:s14] =	ssyncadd.s32 $0xFFFFFFB8  }
0x117: {  	[tilespmem:s29], [sflag:$0x1] =	stream.indirect.gather [hbm4b:s3+s13], $0x1, s28, s13, $0xb8;
	[tilespmem:$0x10000] =	vst v63  }
0x118: {  	_ =	swait.ge [sflag:s14], $0x48  }
0x119: {  	[sflag:s14] =	ssyncset.done $0x0  }
0x11a: {  	[sflag:s14] =	ssyncadd.s32 $0xFFFFFFB8  }
0x11b: {  	[tilespmem:s31], [sflag:$0x1] =	stream.indirect.gather [hbm4b:s3+s13], $0x1, s30, s13, $0xb8;
	[tilespmem:$0x10000] =	vst v63  }
0x11c: {  	_ =	swait.ge [sflag:s14], $0x48  }
0x11d: {  	[sflag:s14] =	ssyncset.done $0x0  }
0x11e: {  	[sflag:s14] =	ssyncadd.s32 $0xFFFFFFB8  }
0x11f: {  	[tilespmem:s1], [sflag:$0x1] =	stream.indirect.gather [hbm4b:s3+s13], $0x1, s0, s13, $0xb8;
	[tilespmem:$0x10000] =	vst v63  }
0x120: {  	_ =	swait.ge [sflag:s14], $0x48  }
0x121: {  	[sflag:s14] =	ssyncset.done $0x0  }
0x122: {  	[sflag:s14] =	ssyncadd.s32 $0xFFFFFFB8  }
0x123: {  	[tilespmem:s12], [sflag:$0x1] =	stream.indirect.gather [hbm4b:s3+s13], $0x1, s10, s13, $0xb8;
	[tilespmem:$0x10000] =	vst v63  }
0x124: {  	_ =	swait.ge [sflag:s14], $0x48  }
0x125: {  	[sflag:s14] =	ssyncset.done $0x0  }
0x126: {  	[sflag:s14] =	ssyncadd.s32 $0xFFFFFFB8  }
0x127: {  	[tilespmem:s16], [sflag:$0x1] =	stream.indirect.gather [hbm4b:s3+s13], $0x1, s15, s13, $0xb8;
	[tilespmem:$0x10000] =	vst v63  }
0x128: {  	_ =	swait.ge [sflag:s14], $0x48  }
0x129: {  	[sflag:s14] =	ssyncset.done $0x0  }
0x12a: {  	[sflag:s14] =	ssyncadd.s32 $0xFFFFFFB8  }
0x12b: {  	[tilespmem:s18], [sflag:$0x1] =	stream.indirect.gather [hbm4b:s3+s13], $0x1, s17, s13, $0xb8;
	[tilespmem:$0x10000] =	vst v63  }
0x12c: {  	_ =	swait.ge [sflag:s14], $0x48  }
0x12d: {  	[sflag:s14] =	ssyncset.done $0x0  }
0x12e: {  	[sflag:s14] =	ssyncadd.s32 $0xFFFFFFB8  }
0x12f: {  	_ =	swait.ge [sflag:s14], $0x48  }
0x130: {  	s22 =	simm.s32 $0x5F;
	[sflag:s14] =	ssyncset.done $0x0  }
.LBB2_8:
0x131: {  	p0 =	sne.s32 s22, $0x1;
	s22 =	sadd.s32 $0xFFFFFFFF, s22;
	[sflag:s14] =	ssyncadd.s32 $0xFFFFFFB8  }
.Ltmp3:
0x132: {  	(pc) =	sbr.rel @p0 .LBB2_8-.Ltmp3, $3  }
0x133: {  	_ =	sdelay $0x1  }
0x134: {  	_ =	swait.ge [sflag:s14], $0x48  }
0x135: {  	[sflag:s14] =	ssyncset.done $0x0  }
0x136: {  	[sflag:s14] =	ssyncadd.s32 $0xFFFFFFB8  }
0x137: {  	[hbm4b:s6+s2] =	stream.linear.scatter [tilespmem:s19], [sflag:$0x2], $0x4000, $0x38;
	[tilespmem:$0x10000] =	vst v63  }
0x138: {  	s21 =	sadd.s32 $0x1, s21;
	_ =	swait.ge [sflag:s9], $0x4000  }
0x139: {  	p0 =	sne.s32 s21, s8;
	[sflag:s9] =	ssyncset.done $0x0  }
.Ltmp4:
0x13a: {  	[sflag:s9] =	ssyncadd.s32 $0xFFFFC000;
	(pc) =	sbr.rel @p0 .LBB2_1-.Ltmp4, $4  }
0x13b: {  	[hbm4b:s7+s2] =	stream.linear.scatter [tilespmem:s20], [sflag:$0x2], $0x4000, $0x38;
	[tilespmem:$0x10000] =	vst v63  }
0x13c: {  	_ =	swait.ge [sflag:s9], $0x4000  }
0x13d: {  	[sflag:s9] =	ssyncset.done $0x0  }
0x13e: {  	[sflag:s9] =	ssyncadd.s32 $0xFFFFC000  }
0x13f: {  	_ =	sfence.sel $0x180000  }
0x140: {  	[bflag:$0x0] =	sbarrier.arrive $0xFFFF  }
0x141: {  	_ =	strace $0x90000047  }
0x142: {  	s0 =	stileid.u32;
	[bflag:$0x2] =	sbarrier.arrive $0xFFFF  }
0x143: {  	p0 =	sne.s32 s0, $0x0;
	s0 =	rddreg [dreg:$0x2]  }
0x144: {  	s0 =	sadd.s32 @!p0 $0x100000, s0  }
0x145: {  	[sflag:s0] =	ssyncadd.tile.s32 @!p0 $0x1;
	_ =	shalt  }
.Lfunc_end2:
_tile_overlayer_lowered:
.L_overlay_start_2:
0x146: {  	(tag) =	ssettag $0x2  }
0x147: {  	s0 =	rddreg [dreg:$0x0];
	s2 =	stileid.u32  }
0x148: {  	s1 =	rddreg [dreg:$0x1];
	p0 =	sne.s32 s2, $0x0  }
0x149: {  	s3 =	rddreg [dreg:$0x2];
	[bflag:$0x3] =	sbarrier.arrive $0xFFFF;
	s2 =	simm.s32 @!p0 $0x1C02  }
0x14a: {  	[timem:s3], [sflag:s2] =	dma.local @!p0 [hbm:s0], s1  }
0x14b: {  	s0 =	simm.s32 @!p0 $0x2  }
0x14c: {  	_ =	swait.ge @!p0 [sflag:s0], s1  }
0x14d: {  	s1 =	ssub.s32 @!p0 $0x0, s1;
	[sflag:s0] =	ssyncset.done @!p0 $0x0  }
0x14e: {  	[sflag:s0] =	ssyncadd.s32 @!p0 s1  }
0x14f: {  	[bflag:$0x3] =	sbarrier.arrive $0xFFFF  }
0x150: {  	_ =	shalt  }

</sc_bundles>
